<compile_context>
chip_gen: v7x
topology: tpu7x:2x2x1
jax: 0.10.2.dev20260603
libtpu: 0.0.44.dev20260713+nightly
codegen_flags: <defaults>
</compile_context>

<pallas_src>
import functools

import jax
import jax.numpy as jnp
from jax import lax
from jax.experimental import pallas as pl
from jax.experimental.pallas import tpu as pltpu
from jax.experimental.pallas import tpu_sc as plsc

TT = 512
TILE = 128
LANES = 128


def _router_body(x_ref, wt_ref, b_ref, code_ref, meta_ref, hist_ref,
                 *, nt, ntiles):
    i = pl.program_id(0)

    @pl.when(i == 0)
    def _init():
        hist_ref[...] = jnp.zeros_like(hist_ref)

    x = x_ref[...]
    logits = lax.dot_general(x, wt_ref[...], (((1,), (1,)), ((), ())),
                             preferred_element_type=jnp.float32)
    logits = logits + b_ref[...].reshape(1, 8)
    lane = lax.broadcasted_iota(jnp.int32, logits.shape, 1)
    m = jnp.max(logits, axis=1, keepdims=True)
    cand = jnp.where(logits >= m, lane, 8)
    eid = jnp.min(cand, axis=1, keepdims=True)
    onehot = (lane == eid).astype(jnp.float32)

    r = lax.broadcasted_iota(jnp.int32, (TT, TT), 0)
    c = lax.broadcasted_iota(jnp.int32, (TT, TT), 1)
    lt = (c < r).astype(jnp.float32)
    prefix = jnp.dot(lt, onehot, preferred_element_type=jnp.float32)
    run = hist_ref[0:1, :]
    rank = (jnp.sum(prefix * onehot, axis=1, keepdims=True)
            + jnp.sum(onehot * run, axis=1, keepdims=True))
    hist_ref[...] = hist_ref[...] + jnp.sum(onehot, axis=0, keepdims=True)

    code = eid.astype(jnp.float32) * 4096.0 + rank
    rr = lax.broadcasted_iota(jnp.int32, (LANES, LANES), 0)
    cc = lax.broadcasted_iota(jnp.int32, (LANES, LANES), 1)
    identf = (rr == cc).astype(jnp.float32)
    for half in range(TT // LANES):
        col = code[half * LANES:(half + 1) * LANES, :]
        row = jnp.sum(identf * col, axis=0, keepdims=True)
        code_ref[pl.ds((TT // LANES) * i + half, 1), :] = row.astype(jnp.int32)

    @pl.when(i == nt - 1)
    def _meta():
        countf = hist_ref[0:1, :]
        padded = (((countf.astype(jnp.int32) + (TILE - 1)) >> 7) << 7)
        paddedf = padded.astype(jnp.float32)
        r8 = lax.broadcasted_iota(jnp.int32, (8, 8), 0)
        c8 = lax.broadcasted_iota(jnp.int32, (8, 8), 1)
        lt8 = (r8 < c8).astype(jnp.float32)
        paddedb = jnp.broadcast_to(paddedf, (8, 8))
        basef = jnp.dot(paddedb, lt8,
                        preferred_element_type=jnp.float32)[0:1, :]
        totalf = jnp.sum(paddedf)
        nu = (totalf * (1.0 / TILE)).astype(jnp.int32)
        base_b = jnp.broadcast_to(basef, (LANES, 8))
        startf = (lax.broadcasted_iota(jnp.int32, (LANES, 8), 0)
                  * TILE).astype(jnp.float32)
        cnt = jnp.sum(jnp.where(base_b <= startf, 1, 0),
                      axis=1, keepdims=True)
        last = jnp.sum(jnp.where(basef <= totalf - TILE, 1, 0)) - 1
        teid_col = jnp.minimum(cnt - 1, last).astype(jnp.float32)
        teid_row = jnp.sum(identf * teid_col, axis=0, keepdims=True)
        lane1 = cc[0:1, :]
        sinfo = jnp.where(lane1 == ntiles, nu,
                          teid_row.astype(jnp.int32))
        expandf = (lax.broadcasted_iota(jnp.int32, (8, LANES), 0)
                   == (lax.broadcasted_iota(jnp.int32, (8, LANES), 1) >> 4)
                   ).astype(jnp.float32)
        basex = jnp.dot(basef, expandf,
                        preferred_element_type=jnp.float32).astype(jnp.int32)
        clamp = jnp.minimum(lane1, nu - 1)
        rows8 = lax.broadcasted_iota(jnp.int32, (8, LANES), 0)
        meta_ref[...] = jnp.where(
            rows8 == 0, jnp.broadcast_to(sinfo, (8, LANES)),
            jnp.where(rows8 == 1, jnp.broadcast_to(basex, (8, LANES)),
                      jnp.where(rows8 == 2,
                                jnp.broadcast_to(clamp, (8, LANES)), 0)))


def _route(tokens, router_w, router_b, ntiles):
    t, h = tokens.shape
    nt = t // TT
    code, meta = pl.pallas_call(
        functools.partial(_router_body, nt=nt, ntiles=ntiles),
        grid=(nt,),
        in_specs=[
            pl.BlockSpec((TT, h), lambda i: (i, 0)),
            pl.BlockSpec((8, h), lambda i: (0, 0)),
            pl.BlockSpec((8,), lambda i: (0,)),
        ],
        out_specs=[
            pl.BlockSpec((t // LANES, LANES), lambda i: (0, 0)),
            pl.BlockSpec((8, LANES), lambda i: (0, 0)),
        ],
        out_shape=[
            jax.ShapeDtypeStruct((t // LANES, LANES), jnp.int32),
            jax.ShapeDtypeStruct((8, LANES), jnp.int32),
        ],
        scratch_shapes=[pltpu.VMEM((8, 8), jnp.float32)],
    )(tokens, router_w, router_b)
    return code.reshape(t), meta.reshape(8 * LANES)


def _dispatch(tokens, code, meta, n_sorted):
    t, h = tokens.shape
    info = plsc.get_sparse_core_info()
    nw = info.num_cores * info.num_subcores
    cpw = t // nw
    mesh = plsc.VectorSubcoreMesh(core_axis_name="c", subcore_axis_name="s")

    hc = cpw // 2

    @functools.partial(
        pl.kernel,
        mesh=mesh,
        out_type=[
            jax.ShapeDtypeStruct((n_sorted, h), jnp.float32),
            jax.ShapeDtypeStruct((t,), jnp.int32),
        ],
        scratch_types=[
            pltpu.VMEM((cpw,), jnp.int32),
            pltpu.VMEM((128,), jnp.int32),
            pltpu.VMEM((hc,), jnp.int32),
            pltpu.VMEM((hc,), jnp.int32),
            pltpu.VMEM((hc, h), jnp.float32),
            pltpu.VMEM((hc, h), jnp.float32),
            pltpu.SemaphoreType.DMA,
            pltpu.SemaphoreType.DMA,
            pltpu.SemaphoreType.DMA,
        ],
    )
    def k(tokens_hbm, code_hbm, meta_hbm, xs_hbm, pos_hbm,
          code_v, base_v, pos_v0, pos_v1, rows_v0, rows_v1,
          sem0, sem1, sem2):
        wid = lax.axis_index("s") * info.num_cores + lax.axis_index("c")
        off = wid * cpw
        in0 = pltpu.async_copy(tokens_hbm.at[pl.ds(off, hc)], rows_v0, sem0)
        in1 = pltpu.async_copy(tokens_hbm.at[pl.ds(off + hc, hc)], rows_v1,
                               sem1)
        pltpu.sync_copy(code_hbm.at[pl.ds(off, cpw)], code_v)
        pltpu.sync_copy(meta_hbm.at[pl.ds(LANES, LANES)], base_v)
        bs = [base_v[pl.ds(16 * e, 16)] for e in range(8)]
        for half, pos_v in ((0, pos_v0), (1, pos_v1)):
            for j in range(hc // 16):
                sl16 = pl.ds(half * hc + j * 16, 16)
                cv = code_v[sl16]
                ev = lax.shift_right_logical(cv, 12)
                rv = jnp.bitwise_and(cv, 4095)
                bv = bs[7]
                for e in range(6, -1, -1):
                    bv = jnp.where(ev == e, bs[e], bv)
                pos_v[pl.ds(j * 16, 16)] = rv + bv
        pltpu.sync_copy(pos_v0, pos_hbm.at[pl.ds(off, hc)])
        pltpu.sync_copy(pos_v1, pos_hbm.at[pl.ds(off + hc, hc)])
        in0.wait()
        out0 = pltpu.async_copy(rows_v0, xs_hbm.at[pos_v0], sem2)
        in1.wait()
        out0.wait()
        pltpu.async_copy(rows_v1, xs_hbm.at[pos_v1], sem2).wait()

    return k(tokens, code, meta)


def _ffn_body(s_ref, x_ref, w1_ref, w2_ref, y_ref, *, ntiles):
    i = pl.program_id(0)

    @pl.when(i < s_ref[ntiles])
    def _():
        x = x_ref[...]
        hmid = lax.dot_general(x, w1_ref[0], (((1,), (1,)), ((), ())),
                               preferred_element_type=jnp.float32)
        hmid = hmid * jax.nn.sigmoid(hmid)
        y_ref[...] = lax.dot_general(hmid, w2_ref[0], (((1,), (1,)), ((), ())),
                                     preferred_element_type=jnp.float32)


def _ffn(sinfo, xs, w1, w2):
    ns, h = xs.shape
    e, f, _ = w1.shape
    ntiles = ns // TILE
    grid_spec = pltpu.PrefetchScalarGridSpec(
        num_scalar_prefetch=1,
        grid=(ntiles,),
        in_specs=[
            pl.BlockSpec((TILE, h), lambda i, s: (s[2 * LANES + i], 0)),
            pl.BlockSpec((1, f, h), lambda i, s: (s[i], 0, 0)),
            pl.BlockSpec((1, h, f), lambda i, s: (s[i], 0, 0)),
        ],
        out_specs=pl.BlockSpec((TILE, h), lambda i, s: (s[2 * LANES + i], 0)),
    )
    return pl.pallas_call(
        functools.partial(_ffn_body, ntiles=ntiles),
        grid_spec=grid_spec,
        out_shape=jax.ShapeDtypeStruct((ns, h), jnp.float32),
    )(sinfo, xs, w1, w2)


def _combine(ys, pos):
    ns, h = ys.shape
    t = pos.shape[0]
    info = plsc.get_sparse_core_info()
    nw = info.num_cores * info.num_subcores
    cpw = t // nw
    mesh = plsc.VectorSubcoreMesh(core_axis_name="c", subcore_axis_name="s")

    hc = cpw // 2

    @functools.partial(
        pl.kernel,
        mesh=mesh,
        out_type=jax.ShapeDtypeStruct((t, h), jnp.float32),
        scratch_types=[
            pltpu.VMEM((hc,), jnp.int32),
            pltpu.VMEM((hc,), jnp.int32),
            pltpu.VMEM((hc, h), jnp.float32),
            pltpu.VMEM((hc, h), jnp.float32),
            pltpu.SemaphoreType.DMA,
            pltpu.SemaphoreType.DMA,
            pltpu.SemaphoreType.DMA,
        ],
    )
    def k(ys_hbm, pos_hbm, out_hbm, idx_v0, idx_v1, rows_v0, rows_v1,
          sem0, sem1, sem2):
        wid = lax.axis_index("s") * info.num_cores + lax.axis_index("c")
        off = wid * cpw
        pltpu.sync_copy(pos_hbm.at[pl.ds(off, hc)], idx_v0)
        pltpu.sync_copy(pos_hbm.at[pl.ds(off + hc, hc)], idx_v1)
        g0 = pltpu.async_copy(ys_hbm.at[idx_v0], rows_v0, sem0)
        g1 = pltpu.async_copy(ys_hbm.at[idx_v1], rows_v1, sem1)
        g0.wait()
        w0 = pltpu.async_copy(rows_v0, out_hbm.at[pl.ds(off, hc)], sem2)
        g1.wait()
        w0.wait()
        pltpu.sync_copy(rows_v1, out_hbm.at[pl.ds(off + hc, hc)])

    return k(ys, pos)


def kernel(hidden_states, router_w, router_b, w1, w2):
    b, s, h = hidden_states.shape
    e, f, _ = w1.shape
    tokens = hidden_states.reshape(-1, h)
    t = tokens.shape[0]

    n_sorted = t + e * TILE
    ntiles = n_sorted // TILE

    code, meta = _route(tokens, router_w, router_b, ntiles)
    xs, pos = _dispatch(tokens, code, meta, n_sorted)
    ys = _ffn(meta, xs, w1, w2)
    out = _combine(ys, pos)
    return out.reshape(b, s, h)

# --- scband reference (transcript-rebuilt; emitter-appended) ---
"""Pipeline reference for scband-sparse-mo-effn-44341242364491 (READ-ONLY COPY).

The authoritative reference and input builder live on the scoring server;
editing this copy changes nothing except your own understanding.
"""

import jax, jax.numpy as jnp
import numpy as np

H = 768
F = 1536
E = 8
K = 1
B = 1
S = 2048

def setup_inputs(seed: int = 0) -> dict:
    key = jax.random.key(seed)
    k0, k1, k2, k3 = jax.random.split(key, 4)
    hidden_states = jax.random.normal(k0, (B, S, H), dtype=jnp.float32)
    # router: torch.nn.Linear(H, E) with default bias
    router_w = jax.random.normal(k1, (E, H), dtype=jnp.float32) * (1.0 / np.sqrt(H))
    router_b = jnp.zeros((E,), dtype=jnp.float32)
    # per-expert FFN weights: fc1 (F x H), fc2 (H x F), bias=False
    w1 = jax.random.normal(k2, (E, F, H), dtype=jnp.float32) * (1.0 / np.sqrt(H))
    w2 = jax.random.normal(k3, (E, H, F), dtype=jnp.float32) * (1.0 / np.sqrt(F))
    return {"hidden_states": hidden_states, "router_w": router_w, "router_b": router_b, "w1": w1, "w2": w2}

def reference(hidden_states, router_w, router_b, w1, w2):
    b, s, h = hidden_states.shape
    tokens = hidden_states.reshape(-1, h)  # [T, H]
    T = tokens.shape[0]
    # router
    logits = tokens @ router_w.T + router_b  # [T, E]
    gate_probs = jax.nn.softmax(logits, axis=-1)
    topk_val, topk_idx = jax.lax.top_k(gate_probs, K)  # [T, K]
    gates = topk_val / jnp.sum(topk_val, axis=-1, keepdims=True)
    # scatter normalized gates into dense [T, E] combine weights
    dense_gates = jnp.zeros((T, E), dtype=tokens.dtype)
    dense_gates = dense_gates.at[jnp.arange(T)[:, None], topk_idx].add(gates)
    # expert computation + weighted combine
    out = jnp.zeros_like(tokens)
    for e in range(E):
        hmid = jax.nn.silu(tokens @ w1[e].T)
        y = hmid @ w2[e].T
        out = out + dense_gates[:, e:e + 1] * y
    return out.reshape(b, s, h)

if __name__ == "__main__":
    import jax
    _d = setup_inputs()
    print(jax.jit(kernel)(*tuple(_d.values())))

</pallas_src>

<mosaic_0001>
#map = affine_map<(d0, d1) -> (0, 0)>
#map1 = affine_map<(d0, d1) -> (0)>
module attributes {stable_mosaic.version = 14 : i64} {
  func.func @k(%arg0: i32, %arg1: i32, %arg2: memref<3072x768xf32, #tpu.memory_space<hbm>>, %arg3: memref<2048xi32, #tpu.memory_space<hbm>>, %arg4: memref<2048x768xf32, #tpu.memory_space<hbm>>, %arg5: memref<32xi32, #tpu.memory_space<vmem>>, %arg6: memref<32xi32, #tpu.memory_space<vmem>>, %arg7: memref<32x768xf32, #tpu.memory_space<vmem>>, %arg8: memref<32x768xf32, #tpu.memory_space<vmem>>, %arg9: memref<!tpu.dma_semaphore, #tpu.memory_space<semaphore_mem>>, %arg10: memref<!tpu.dma_semaphore, #tpu.memory_space<semaphore_mem>>, %arg11: memref<!tpu.dma_semaphore, #tpu.memory_space<semaphore_mem>>) attributes {dimension_semantics = [#tpu.dimension_semantics<core_parallel>, #tpu.dimension_semantics<subcore_parallel>], iteration_bounds = array<i64: 2, 16>, scalar_prefetch = 0 : i64, scratch_operands = 7 : i64, tpu.core_type = #tpu.core_type<sc_vector_subcore>, window_params = [{transform_indices = #map}, {transform_indices = #map1}, {transform_indices = #map}]} {
    %mul3A = arith.constant 2 : i32
    %mul3A_0 = arith.muli %arg1, %mul3A : i32
    %add3A = arith.addi %mul3A_0, %arg0 : i32
    %mul3A_1 = arith.constant 64 : i32
    %mul3A_2 = arith.muli %add3A, %mul3A_1 : i32
    "tpu.region"() ({
      %run_scoped3A = tpu.sem_alloc : memref<!tpu.dma_semaphore, #tpu.memory_space<semaphore_mem>>
      %dma_start3A_25 = tpu.memref_slice %arg3[%mul3A_2] : memref<2048xi32, #tpu.memory_space<hbm>> -> memref<32xi32, #tpu.memory_space<hbm>>
      %dma_start3A_26 = tpu.memref_slice %arg3[%mul3A_2] : memref<2048xi32, #tpu.memory_space<hbm>> -> memref<32xi32, #tpu.memory_space<hbm>>
      tpu.enqueue_dma source(%dma_start3A_26 : memref<32xi32, #tpu.memory_space<hbm>>) target(%arg5 : memref<32xi32, #tpu.memory_space<vmem>>) target_semaphore(%run_scoped3A : memref<!tpu.dma_semaphore, #tpu.memory_space<semaphore_mem>>)
      %dma_wait3A_27 = tpu.memref_slice %arg3[%mul3A_2] : memref<2048xi32, #tpu.memory_space<hbm>> -> memref<32xi32, #tpu.memory_space<hbm>>
      %dma_wait3A_28 = tpu.memref_slice %arg3[%mul3A_2] : memref<2048xi32, #tpu.memory_space<hbm>> -> memref<32xi32, #tpu.memory_space<hbm>>
      tpu.wait_dma2 semaphore(%run_scoped3A : memref<!tpu.dma_semaphore, #tpu.memory_space<semaphore_mem>>) src(%dma_wait3A_28 : memref<32xi32, #tpu.memory_space<hbm>>) dst(%arg5 : memref<32xi32, #tpu.memory_space<vmem>>)
      tpu.yield
    }) : () -> ()
    %add3A_3 = arith.constant 32 : i32
    %add3A_4 = arith.addi %mul3A_2, %add3A_3 : i32
    "tpu.region"() ({
      %run_scoped3A = tpu.sem_alloc : memref<!tpu.dma_semaphore, #tpu.memory_space<semaphore_mem>>
      %dma_start3A_25 = tpu.memref_slice %arg3[%add3A_4] : memref<2048xi32, #tpu.memory_space<hbm>> -> memref<32xi32, #tpu.memory_space<hbm>>
      %dma_start3A_26 = tpu.memref_slice %arg3[%add3A_4] : memref<2048xi32, #tpu.memory_space<hbm>> -> memref<32xi32, #tpu.memory_space<hbm>>
      tpu.enqueue_dma source(%dma_start3A_26 : memref<32xi32, #tpu.memory_space<hbm>>) target(%arg6 : memref<32xi32, #tpu.memory_space<vmem>>) target_semaphore(%run_scoped3A : memref<!tpu.dma_semaphore, #tpu.memory_space<semaphore_mem>>)
      %dma_wait3A_27 = tpu.memref_slice %arg3[%add3A_4] : memref<2048xi32, #tpu.memory_space<hbm>> -> memref<32xi32, #tpu.memory_space<hbm>>
      %dma_wait3A_28 = tpu.memref_slice %arg3[%add3A_4] : memref<2048xi32, #tpu.memory_space<hbm>> -> memref<32xi32, #tpu.memory_space<hbm>>
      tpu.wait_dma2 semaphore(%run_scoped3A : memref<!tpu.dma_semaphore, #tpu.memory_space<semaphore_mem>>) src(%dma_wait3A_28 : memref<32xi32, #tpu.memory_space<hbm>>) dst(%arg6 : memref<32xi32, #tpu.memory_space<vmem>>)
      tpu.yield
    }) : () -> ()
    %dma_start3A = arith.constant 0 : i32
    %dma_start3A_5 = arith.constant 0 : i32
    %dma_start3A_6 = tpu.memref_slice %arg2[%dma_start3A, %dma_start3A_5] : memref<3072x768xf32, #tpu.memory_space<hbm>> -> memref<3072x768xf32, #tpu.memory_space<hbm>>
    tpu.enqueue_indirect_dma source(%dma_start3A_6 : memref<3072x768xf32, #tpu.memory_space<hbm>>) target(%arg7 : memref<32x768xf32, #tpu.memory_space<vmem>>) offsets(%arg5 : memref<32xi32, #tpu.memory_space<vmem>>) semaphore(%arg9 : memref<!tpu.dma_semaphore, #tpu.memory_space<semaphore_mem>>)
    %dma_start3A_7 = arith.constant 0 : i32
    %dma_start3A_8 = arith.constant 0 : i32
    %dma_start3A_9 = tpu.memref_slice %arg2[%dma_start3A_7, %dma_start3A_8] : memref<3072x768xf32, #tpu.memory_space<hbm>> -> memref<3072x768xf32, #tpu.memory_space<hbm>>
    tpu.enqueue_indirect_dma source(%dma_start3A_9 : memref<3072x768xf32, #tpu.memory_space<hbm>>) target(%arg8 : memref<32x768xf32, #tpu.memory_space<vmem>>) offsets(%arg6 : memref<32xi32, #tpu.memory_space<vmem>>) semaphore(%arg10 : memref<!tpu.dma_semaphore, #tpu.memory_space<semaphore_mem>>)
    %dma_wait3A = arith.constant 0 : i32
    %dma_wait3A_10 = arith.constant 0 : i32
    %dma_wait3A_11 = tpu.memref_slice %arg2[%dma_wait3A, %dma_wait3A_10] : memref<3072x768xf32, #tpu.memory_space<hbm>> -> memref<3072x768xf32, #tpu.memory_space<hbm>>
    tpu.wait_indirect_dma semaphore(%arg9 : memref<!tpu.dma_semaphore, #tpu.memory_space<semaphore_mem>>) src(%dma_wait3A_11 : memref<3072x768xf32, #tpu.memory_space<hbm>>) dst(%arg7 : memref<32x768xf32, #tpu.memory_space<vmem>>)
    %dma_start3A_12 = arith.constant 0 : i32
    %dma_start3A_13 = tpu.memref_slice %arg4[%mul3A_2, %dma_start3A_12] : memref<2048x768xf32, #tpu.memory_space<hbm>> -> memref<32x768xf32, #tpu.memory_space<hbm>>
    %dma_start3A_14 = arith.constant 0 : i32
    %dma_start3A_15 = tpu.memref_slice %arg4[%mul3A_2, %dma_start3A_14] : memref<2048x768xf32, #tpu.memory_space<hbm>> -> memref<32x768xf32, #tpu.memory_space<hbm>>
    tpu.enqueue_dma source(%arg7 : memref<32x768xf32, #tpu.memory_space<vmem>>) target(%dma_start3A_15 : memref<32x768xf32, #tpu.memory_space<hbm>>) target_semaphore(%arg11 : memref<!tpu.dma_semaphore, #tpu.memory_space<semaphore_mem>>)
    %dma_wait3A_16 = arith.constant 0 : i32
    %dma_wait3A_17 = arith.constant 0 : i32
    %dma_wait3A_18 = tpu.memref_slice %arg2[%dma_wait3A_16, %dma_wait3A_17] : memref<3072x768xf32, #tpu.memory_space<hbm>> -> memref<3072x768xf32, #tpu.memory_space<hbm>>
    tpu.wait_indirect_dma semaphore(%arg10 : memref<!tpu.dma_semaphore, #tpu.memory_space<semaphore_mem>>) src(%dma_wait3A_18 : memref<3072x768xf32, #tpu.memory_space<hbm>>) dst(%arg8 : memref<32x768xf32, #tpu.memory_space<vmem>>)
    %dma_wait3A_19 = arith.constant 0 : i32
    %dma_wait3A_20 = tpu.memref_slice %arg4[%mul3A_2, %dma_wait3A_19] : memref<2048x768xf32, #tpu.memory_space<hbm>> -> memref<32x768xf32, #tpu.memory_space<hbm>>
    %dma_wait3A_21 = arith.constant 0 : i32
    %dma_wait3A_22 = tpu.memref_slice %arg4[%mul3A_2, %dma_wait3A_21] : memref<2048x768xf32, #tpu.memory_space<hbm>> -> memref<32x768xf32, #tpu.memory_space<hbm>>
    tpu.wait_dma2 semaphore(%arg11 : memref<!tpu.dma_semaphore, #tpu.memory_space<semaphore_mem>>) src(%arg7 : memref<32x768xf32, #tpu.memory_space<vmem>>) dst(%dma_wait3A_22 : memref<32x768xf32, #tpu.memory_space<hbm>>)
    %add3A_23 = arith.constant 32 : i32
    %add3A_24 = arith.addi %mul3A_2, %add3A_23 : i32
    "tpu.region"() ({
      %run_scoped3A = tpu.sem_alloc : memref<!tpu.dma_semaphore, #tpu.memory_space<semaphore_mem>>
      %dma_start3A_25 = arith.constant 0 : i32
      %dma_start3A_26 = tpu.memref_slice %arg4[%add3A_24, %dma_start3A_25] : memref<2048x768xf32, #tpu.memory_space<hbm>> -> memref<32x768xf32, #tpu.memory_space<hbm>>
      %dma_start3A_27 = arith.constant 0 : i32
      %dma_start3A_28 = tpu.memref_slice %arg4[%add3A_24, %dma_start3A_27] : memref<2048x768xf32, #tpu.memory_space<hbm>> -> memref<32x768xf32, #tpu.memory_space<hbm>>
      tpu.enqueue_dma source(%arg8 : memref<32x768xf32, #tpu.memory_space<vmem>>) target(%dma_start3A_28 : memref<32x768xf32, #tpu.memory_space<hbm>>) target_semaphore(%run_scoped3A : memref<!tpu.dma_semaphore, #tpu.memory_space<semaphore_mem>>)
      %dma_wait3A_29 = arith.constant 0 : i32
      %dma_wait3A_30 = tpu.memref_slice %arg4[%add3A_24, %dma_wait3A_29] : memref<2048x768xf32, #tpu.memory_space<hbm>> -> memref<32x768xf32, #tpu.memory_space<hbm>>
      %dma_wait3A_31 = arith.constant 0 : i32
      %dma_wait3A_32 = tpu.memref_slice %arg4[%add3A_24, %dma_wait3A_31] : memref<2048x768xf32, #tpu.memory_space<hbm>> -> memref<32x768xf32, #tpu.memory_space<hbm>>
      tpu.wait_dma2 semaphore(%run_scoped3A : memref<!tpu.dma_semaphore, #tpu.memory_space<semaphore_mem>>) src(%arg8 : memref<32x768xf32, #tpu.memory_space<vmem>>) dst(%dma_wait3A_32 : memref<32x768xf32, #tpu.memory_space<hbm>>)
      tpu.yield
    }) : () -> ()
    return
  }
}

#map = affine_map<(d0, d1) -> (0, 0)>
#map1 = affine_map<(d0, d1) -> (0)>
module attributes {stable_mosaic.version = 14 : i64} {
  func.func @k(%arg0: i32, %arg1: i32, %arg2: memref<2048x768xf32, #tpu.memory_space<hbm>>, %arg3: memref<2048xi32, #tpu.memory_space<hbm>>, %arg4: memref<1024xi32, #tpu.memory_space<hbm>>, %arg5: memref<3072x768xf32, #tpu.memory_space<hbm>>, %arg6: memref<2048xi32, #tpu.memory_space<hbm>>, %arg7: memref<64xi32, #tpu.memory_space<vmem>>, %arg8: memref<128xi32, #tpu.memory_space<vmem>>, %arg9: memref<32xi32, #tpu.memory_space<vmem>>, %arg10: memref<32xi32, #tpu.memory_space<vmem>>, %arg11: memref<32x768xf32, #tpu.memory_space<vmem>>, %arg12: memref<32x768xf32, #tpu.memory_space<vmem>>, %arg13: memref<!tpu.dma_semaphore, #tpu.memory_space<semaphore_mem>>, %arg14: memref<!tpu.dma_semaphore, #tpu.memory_space<semaphore_mem>>, %arg15: memref<!tpu.dma_semaphore, #tpu.memory_space<semaphore_mem>>) attributes {dimension_semantics = [#tpu.dimension_semantics<core_parallel>, #tpu.dimension_semantics<subcore_parallel>], iteration_bounds = array<i64: 2, 16>, scalar_prefetch = 0 : i64, scratch_operands = 9 : i64, tpu.core_type = #tpu.core_type<sc_vector_subcore>, window_params = [{transform_indices = #map}, {transform_indices = #map1}, {transform_indices = #map1}, {transform_indices = #map}, {transform_indices = #map1}]} {
    %mul3A = arith.constant 2 : i32
    %mul3A_0 = arith.muli %arg1, %mul3A : i32
    %add3A = arith.addi %mul3A_0, %arg0 : i32
    %mul3A_1 = arith.constant 64 : i32
    %mul3A_2 = arith.muli %add3A, %mul3A_1 : i32
    %dma_start3A = arith.constant 0 : i32
    %dma_start3A_3 = tpu.memref_slice %arg2[%mul3A_2, %dma_start3A] : memref<2048x768xf32, #tpu.memory_space<hbm>> -> memref<32x768xf32, #tpu.memory_space<hbm>>
    %dma_start3A_4 = arith.constant 0 : i32
    %dma_start3A_5 = tpu.memref_slice %arg2[%mul3A_2, %dma_start3A_4] : memref<2048x768xf32, #tpu.memory_space<hbm>> -> memref<32x768xf32, #tpu.memory_space<hbm>>
    tpu.enqueue_dma source(%dma_start3A_5 : memref<32x768xf32, #tpu.memory_space<hbm>>) target(%arg11 : memref<32x768xf32, #tpu.memory_space<vmem>>) target_semaphore(%arg13 : memref<!tpu.dma_semaphore, #tpu.memory_space<semaphore_mem>>)
    %add3A_6 = arith.constant 32 : i32
    %add3A_7 = arith.addi %mul3A_2, %add3A_6 : i32
    %dma_start3A_8 = arith.constant 0 : i32
    %dma_start3A_9 = tpu.memref_slice %arg2[%add3A_7, %dma_start3A_8] : memref<2048x768xf32, #tpu.memory_space<hbm>> -> memref<32x768xf32, #tpu.memory_space<hbm>>
    %dma_start3A_10 = arith.constant 0 : i32
    %dma_start3A_11 = tpu.memref_slice %arg2[%add3A_7, %dma_start3A_10] : memref<2048x768xf32, #tpu.memory_space<hbm>> -> memref<32x768xf32, #tpu.memory_space<hbm>>
    tpu.enqueue_dma source(%dma_start3A_11 : memref<32x768xf32, #tpu.memory_space<hbm>>) target(%arg12 : memref<32x768xf32, #tpu.memory_space<vmem>>) target_semaphore(%arg14 : memref<!tpu.dma_semaphore, #tpu.memory_space<semaphore_mem>>)
    "tpu.region"() ({
      %run_scoped3A = tpu.sem_alloc : memref<!tpu.dma_semaphore, #tpu.memory_space<semaphore_mem>>
      %dma_start3A_219 = tpu.memref_slice %arg3[%mul3A_2] : memref<2048xi32, #tpu.memory_space<hbm>> -> memref<64xi32, #tpu.memory_space<hbm>>
      %dma_start3A_220 = tpu.memref_slice %arg3[%mul3A_2] : memref<2048xi32, #tpu.memory_space<hbm>> -> memref<64xi32, #tpu.memory_space<hbm>>
      tpu.enqueue_dma source(%dma_start3A_220 : memref<64xi32, #tpu.memory_space<hbm>>) target(%arg7 : memref<64xi32, #tpu.memory_space<vmem>>) target_semaphore(%run_scoped3A : memref<!tpu.dma_semaphore, #tpu.memory_space<semaphore_mem>>)
      %dma_wait3A_221 = tpu.memref_slice %arg3[%mul3A_2] : memref<2048xi32, #tpu.memory_space<hbm>> -> memref<64xi32, #tpu.memory_space<hbm>>
      %dma_wait3A_222 = tpu.memref_slice %arg3[%mul3A_2] : memref<2048xi32, #tpu.memory_space<hbm>> -> memref<64xi32, #tpu.memory_space<hbm>>
      tpu.wait_dma2 semaphore(%run_scoped3A : memref<!tpu.dma_semaphore, #tpu.memory_space<semaphore_mem>>) src(%dma_wait3A_222 : memref<64xi32, #tpu.memory_space<hbm>>) dst(%arg7 : memref<64xi32, #tpu.memory_space<vmem>>)
      tpu.yield
    }) : () -> ()
    "tpu.region"() ({
      %run_scoped3A = tpu.sem_alloc : memref<!tpu.dma_semaphore, #tpu.memory_space<semaphore_mem>>
      %dma_start3A_219 = arith.constant 128 : i32
      %dma_start3A_220 = tpu.memref_slice %arg4[%dma_start3A_219] : memref<1024xi32, #tpu.memory_space<hbm>> -> memref<128xi32, #tpu.memory_space<hbm>>
      %dma_start3A_221 = arith.constant 128 : i32
      %dma_start3A_222 = tpu.memref_slice %arg4[%dma_start3A_221] : memref<1024xi32, #tpu.memory_space<hbm>> -> memref<128xi32, #tpu.memory_space<hbm>>
      tpu.enqueue_dma source(%dma_start3A_222 : memref<128xi32, #tpu.memory_space<hbm>>) target(%arg8 : memref<128xi32, #tpu.memory_space<vmem>>) target_semaphore(%run_scoped3A : memref<!tpu.dma_semaphore, #tpu.memory_space<semaphore_mem>>)
      %dma_wait3A_223 = arith.constant 128 : i32
      %dma_wait3A_224 = tpu.memref_slice %arg4[%dma_wait3A_223] : memref<1024xi32, #tpu.memory_space<hbm>> -> memref<128xi32, #tpu.memory_space<hbm>>
      %dma_wait3A_225 = arith.constant 128 : i32
      %dma_wait3A_226 = tpu.memref_slice %arg4[%dma_wait3A_225] : memref<1024xi32, #tpu.memory_space<hbm>> -> memref<128xi32, #tpu.memory_space<hbm>>
      tpu.wait_dma2 semaphore(%run_scoped3A : memref<!tpu.dma_semaphore, #tpu.memory_space<semaphore_mem>>) src(%dma_wait3A_226 : memref<128xi32, #tpu.memory_space<hbm>>) dst(%arg8 : memref<128xi32, #tpu.memory_space<vmem>>)
      tpu.yield
    }) : () -> ()
    %get3A = arith.constant 0 : index
    %get3A_12 = tpu.vector_load %arg8[%get3A] {strides = array<i32>} : memref<128xi32, #tpu.memory_space<vmem>>, vector<16xi32>,
    %get3A_13 = vector.shape_cast %get3A_12 : vector<16xi32> to vector<16xi32>
    %get3A_14 = arith.constant 16 : index
    %get3A_15 = tpu.vector_load %arg8[%get3A_14] {strides = array<i32>} : memref<128xi32, #tpu.memory_space<vmem>>, vector<16xi32>,
    %get3A_16 = vector.shape_cast %get3A_15 : vector<16xi32> to vector<16xi32>
    %get3A_17 = arith.constant 32 : index
    %get3A_18 = tpu.vector_load %arg8[%get3A_17] {strides = array<i32>} : memref<128xi32, #tpu.memory_space<vmem>>, vector<16xi32>,
    %get3A_19 = vector.shape_cast %get3A_18 : vector<16xi32> to vector<16xi32>
    %get3A_20 = arith.constant 48 : index
    %get3A_21 = tpu.vector_load %arg8[%get3A_20] {strides = array<i32>} : memref<128xi32, #tpu.memory_space<vmem>>, vector<16xi32>,
    %get3A_22 = vector.shape_cast %get3A_21 : vector<16xi32> to vector<16xi32>
    %get3A_23 = arith.constant 64 : index
    %get3A_24 = tpu.vector_load %arg8[%get3A_23] {strides = array<i32>} : memref<128xi32, #tpu.memory_space<vmem>>, vector<16xi32>,
    %get3A_25 = vector.shape_cast %get3A_24 : vector<16xi32> to vector<16xi32>
    %get3A_26 = arith.constant 80 : index
    %get3A_27 = tpu.vector_load %arg8[%get3A_26] {strides = array<i32>} : memref<128xi32, #tpu.memory_space<vmem>>, vector<16xi32>,
    %get3A_28 = vector.shape_cast %get3A_27 : vector<16xi32> to vector<16xi32>
    %get3A_29 = arith.constant 96 : index
    %get3A_30 = tpu.vector_load %arg8[%get3A_29] {strides = array<i32>} : memref<128xi32, #tpu.memory_space<vmem>>, vector<16xi32>,
    %get3A_31 = vector.shape_cast %get3A_30 : vector<16xi32> to vector<16xi32>
    %get3A_32 = arith.constant 112 : index
    %get3A_33 = tpu.vector_load %arg8[%get3A_32] {strides = array<i32>} : memref<128xi32, #tpu.memory_space<vmem>>, vector<16xi32>,
    %get3A_34 = vector.shape_cast %get3A_33 : vector<16xi32> to vector<16xi32>
    %get3A_35 = arith.constant 0 : index
    %get3A_36 = tpu.vector_load %arg7[%get3A_35] {strides = array<i32>} : memref<64xi32, #tpu.memory_space<vmem>>, vector<16xi32>,
    %get3A_37 = vector.shape_cast %get3A_36 : vector<16xi32> to vector<16xi32>
    %shift_right_logical3A = arith.constant 12 : i32
    %shift_right_logical3A_38 = vector.broadcast %shift_right_logical3A : i32 to vector<16xi32>
    %shift_right_logical3A_39 = arith.shrui %get3A_37, %shift_right_logical3A_38 : vector<16xi32>
    %and3A = arith.constant 4095 : i32
    %and3A_40 = vector.broadcast %and3A : i32 to vector<16xi32>
    %and3A_41 = arith.andi %get3A_37, %and3A_40 : vector<16xi32>
    %eq3A = arith.constant 6 : i32
    %eq3A_42 = vector.broadcast %eq3A : i32 to vector<16xi32>
    %eq3A_43 = arith.cmpi eq, %shift_right_logical3A_39, %eq3A_42 : vector<16xi32>
    %select_n3A = arith.select %eq3A_43, %get3A_31, %get3A_34 : vector<16xi1>, vector<16xi32>
    %eq3A_44 = arith.constant 5 : i32
    %eq3A_45 = vector.broadcast %eq3A_44 : i32 to vector<16xi32>
    %eq3A_46 = arith.cmpi eq, %shift_right_logical3A_39, %eq3A_45 : vector<16xi32>
    %select_n3A_47 = arith.select %eq3A_46, %get3A_28, %select_n3A : vector<16xi1>, vector<16xi32>
    %eq3A_48 = arith.constant 4 : i32
    %eq3A_49 = vector.broadcast %eq3A_48 : i32 to vector<16xi32>
    %eq3A_50 = arith.cmpi eq, %shift_right_logical3A_39, %eq3A_49 : vector<16xi32>
    %select_n3A_51 = arith.select %eq3A_50, %get3A_25, %select_n3A_47 : vector<16xi1>, vector<16xi32>
    %eq3A_52 = arith.constant 3 : i32
    %eq3A_53 = vector.broadcast %eq3A_52 : i32 to vector<16xi32>
    %eq3A_54 = arith.cmpi eq, %shift_right_logical3A_39, %eq3A_53 : vector<16xi32>
    %select_n3A_55 = arith.select %eq3A_54, %get3A_22, %select_n3A_51 : vector<16xi1>, vector<16xi32>
    %eq3A_56 = arith.constant 2 : i32
    %eq3A_57 = vector.broadcast %eq3A_56 : i32 to vector<16xi32>
    %eq3A_58 = arith.cmpi eq, %shift_right_logical3A_39, %eq3A_57 : vector<16xi32>
    %select_n3A_59 = arith.select %eq3A_58, %get3A_19, %select_n3A_55 : vector<16xi1>, vector<16xi32>
    %eq3A_60 = arith.constant 1 : i32
    %eq3A_61 = vector.broadcast %eq3A_60 : i32 to vector<16xi32>
    %eq3A_62 = arith.cmpi eq, %shift_right_logical3A_39, %eq3A_61 : vector<16xi32>
    %select_n3A_63 = arith.select %eq3A_62, %get3A_16, %select_n3A_59 : vector<16xi1>, vector<16xi32>
    %eq3A_64 = arith.constant 0 : i32
    %eq3A_65 = vector.broadcast %eq3A_64 : i32 to vector<16xi32>
    %eq3A_66 = arith.cmpi eq, %shift_right_logical3A_39, %eq3A_65 : vector<16xi32>
    %select_n3A_67 = arith.select %eq3A_66, %get3A_13, %select_n3A_63 : vector<16xi1>, vector<16xi32>
    %add3A_68 = arith.addi %and3A_41, %select_n3A_67 : vector<16xi32>
    %swap3A = arith.constant 0 : index
    %swap3A_69 = tpu.vector_load %arg9[%swap3A] {strides = array<i32>} : memref<32xi32, #tpu.memory_space<vmem>>, vector<16xi32>,
    %swap3A_70 = vector.shape_cast %swap3A_69 : vector<16xi32> to vector<16xi32>
    %swap3A_71 = vector.shape_cast %add3A_68 : vector<16xi32> to vector<16xi32>
    tpu.vector_store %arg9[%swap3A], %swap3A_71 {strides = array<i32>} : memref<32xi32, #tpu.memory_space<vmem>>, vector<16xi32>,
    %get3A_72 = arith.constant 16 : index
    %get3A_73 = tpu.vector_load %arg7[%get3A_72] {strides = array<i32>} : memref<64xi32, #tpu.memory_space<vmem>>, vector<16xi32>,
    %get3A_74 = vector.shape_cast %get3A_73 : vector<16xi32> to vector<16xi32>
    %shift_right_logical3A_75 = arith.constant 12 : i32
    %shift_right_logical3A_76 = vector.broadcast %shift_right_logical3A_75 : i32 to vector<16xi32>
    %shift_right_logical3A_77 = arith.shrui %get3A_74, %shift_right_logical3A_76 : vector<16xi32>
    %and3A_78 = arith.constant 4095 : i32
    %and3A_79 = vector.broadcast %and3A_78 : i32 to vector<16xi32>
    %and3A_80 = arith.andi %get3A_74, %and3A_79 : vector<16xi32>
    %eq3A_81 = arith.constant 6 : i32
    %eq3A_82 = vector.broadcast %eq3A_81 : i32 to vector<16xi32>
    %eq3A_83 = arith.cmpi eq, %shift_right_logical3A_77, %eq3A_82 : vector<16xi32>
    %select_n3A_84 = arith.select %eq3A_83, %get3A_31, %get3A_34 : vector<16xi1>, vector<16xi32>
    %eq3A_85 = arith.constant 5 : i32
    %eq3A_86 = vector.broadcast %eq3A_85 : i32 to vector<16xi32>
    %eq3A_87 = arith.cmpi eq, %shift_right_logical3A_77, %eq3A_86 : vector<16xi32>
    %select_n3A_88 = arith.select %eq3A_87, %get3A_28, %select_n3A_84 : vector<16xi1>, vector<16xi32>
    %eq3A_89 = arith.constant 4 : i32
    %eq3A_90 = vector.broadcast %eq3A_89 : i32 to vector<16xi32>
    %eq3A_91 = arith.cmpi eq, %shift_right_logical3A_77, %eq3A_90 : vector<16xi32>
    %select_n3A_92 = arith.select %eq3A_91, %get3A_25, %select_n3A_88 : vector<16xi1>, vector<16xi32>
    %eq3A_93 = arith.constant 3 : i32
    %eq3A_94 = vector.broadcast %eq3A_93 : i32 to vector<16xi32>
    %eq3A_95 = arith.cmpi eq, %shift_right_logical3A_77, %eq3A_94 : vector<16xi32>
    %select_n3A_96 = arith.select %eq3A_95, %get3A_22, %select_n3A_92 : vector<16xi1>, vector<16xi32>
    %eq3A_97 = arith.constant 2 : i32
    %eq3A_98 = vector.broadcast %eq3A_97 : i32 to vector<16xi32>
    %eq3A_99 = arith.cmpi eq, %shift_right_logical3A_77, %eq3A_98 : vector<16xi32>
    %select_n3A_100 = arith.select %eq3A_99, %get3A_19, %select_n3A_96 : vector<16xi1>, vector<16xi32>
    %eq3A_101 = arith.constant 1 : i32
    %eq3A_102 = vector.broadcast %eq3A_101 : i32 to vector<16xi32>
    %eq3A_103 = arith.cmpi eq, %shift_right_logical3A_77, %eq3A_102 : vector<16xi32>
    %select_n3A_104 = arith.select %eq3A_103, %get3A_16, %select_n3A_100 : vector<16xi1>, vector<16xi32>
    %eq3A_105 = arith.constant 0 : i32
    %eq3A_106 = vector.broadcast %eq3A_105 : i32 to vector<16xi32>
    %eq3A_107 = arith.cmpi eq, %shift_right_logical3A_77, %eq3A_106 : vector<16xi32>
    %select_n3A_108 = arith.select %eq3A_107, %get3A_13, %select_n3A_104 : vector<16xi1>, vector<16xi32>
    %add3A_109 = arith.addi %and3A_80, %select_n3A_108 : vector<16xi32>
    %swap3A_110 = arith.constant 16 : index
    %swap3A_111 = tpu.vector_load %arg9[%swap3A_110] {strides = array<i32>} : memref<32xi32, #tpu.memory_space<vmem>>, vector<16xi32>,
    %swap3A_112 = vector.shape_cast %swap3A_111 : vector<16xi32> to vector<16xi32>
    %swap3A_113 = vector.shape_cast %add3A_109 : vector<16xi32> to vector<16xi32>
    tpu.vector_store %arg9[%swap3A_110], %swap3A_113 {strides = array<i32>} : memref<32xi32, #tpu.memory_space<vmem>>, vector<16xi32>,
    %get3A_114 = arith.constant 32 : index
    %get3A_115 = tpu.vector_load %arg7[%get3A_114] {strides = array<i32>} : memref<64xi32, #tpu.memory_space<vmem>>, vector<16xi32>,
    %get3A_116 = vector.shape_cast %get3A_115 : vector<16xi32> to vector<16xi32>
    %shift_right_logical3A_117 = arith.constant 12 : i32
    %shift_right_logical3A_118 = vector.broadcast %shift_right_logical3A_117 : i32 to vector<16xi32>
    %shift_right_logical3A_119 = arith.shrui %get3A_116, %shift_right_logical3A_118 : vector<16xi32>
    %and3A_120 = arith.constant 4095 : i32
    %and3A_121 = vector.broadcast %and3A_120 : i32 to vector<16xi32>
    %and3A_122 = arith.andi %get3A_116, %and3A_121 : vector<16xi32>
    %eq3A_123 = arith.constant 6 : i32
    %eq3A_124 = vector.broadcast %eq3A_123 : i32 to vector<16xi32>
    %eq3A_125 = arith.cmpi eq, %shift_right_logical3A_119, %eq3A_124 : vector<16xi32>
    %select_n3A_126 = arith.select %eq3A_125, %get3A_31, %get3A_34 : vector<16xi1>, vector<16xi32>
    %eq3A_127 = arith.constant 5 : i32
    %eq3A_128 = vector.broadcast %eq3A_127 : i32 to vector<16xi32>
    %eq3A_129 = arith.cmpi eq, %shift_right_logical3A_119, %eq3A_128 : vector<16xi32>
    %select_n3A_130 = arith.select %eq3A_129, %get3A_28, %select_n3A_126 : vector<16xi1>, vector<16xi32>
    %eq3A_131 = arith.constant 4 : i32
    %eq3A_132 = vector.broadcast %eq3A_131 : i32 to vector<16xi32>
    %eq3A_133 = arith.cmpi eq, %shift_right_logical3A_119, %eq3A_132 : vector<16xi32>
    %select_n3A_134 = arith.select %eq3A_133, %get3A_25, %select_n3A_130 : vector<16xi1>, vector<16xi32>
    %eq3A_135 = arith.constant 3 : i32
    %eq3A_136 = vector.broadcast %eq3A_135 : i32 to vector<16xi32>
    %eq3A_137 = arith.cmpi eq, %shift_right_logical3A_119, %eq3A_136 : vector<16xi32>
    %select_n3A_138 = arith.select %eq3A_137, %get3A_22, %select_n3A_134 : vector<16xi1>, vector<16xi32>
    %eq3A_139 = arith.constant 2 : i32
    %eq3A_140 = vector.broadcast %eq3A_139 : i32 to vector<16xi32>
    %eq3A_141 = arith.cmpi eq, %shift_right_logical3A_119, %eq3A_140 : vector<16xi32>
    %select_n3A_142 = arith.select %eq3A_141, %get3A_19, %select_n3A_138 : vector<16xi1>, vector<16xi32>
    %eq3A_143 = arith.constant 1 : i32
    %eq3A_144 = vector.broadcast %eq3A_143 : i32 to vector<16xi32>
    %eq3A_145 = arith.cmpi eq, %shift_right_logical3A_119, %eq3A_144 : vector<16xi32>
    %select_n3A_146 = arith.select %eq3A_145, %get3A_16, %select_n3A_142 : vector<16xi1>, vector<16xi32>
    %eq3A_147 = arith.constant 0 : i32
    %eq3A_148 = vector.broadcast %eq3A_147 : i32 to vector<16xi32>
    %eq3A_149 = arith.cmpi eq, %shift_right_logical3A_119, %eq3A_148 : vector<16xi32>
    %select_n3A_150 = arith.select %eq3A_149, %get3A_13, %select_n3A_146 : vector<16xi1>, vector<16xi32>
    %add3A_151 = arith.addi %and3A_122, %select_n3A_150 : vector<16xi32>
    %swap3A_152 = arith.constant 0 : index
    %swap3A_153 = tpu.vector_load %arg10[%swap3A_152] {strides = array<i32>} : memref<32xi32, #tpu.memory_space<vmem>>, vector<16xi32>,
    %swap3A_154 = vector.shape_cast %swap3A_153 : vector<16xi32> to vector<16xi32>
    %swap3A_155 = vector.shape_cast %add3A_151 : vector<16xi32> to vector<16xi32>
    tpu.vector_store %arg10[%swap3A_152], %swap3A_155 {strides = array<i32>} : memref<32xi32, #tpu.memory_space<vmem>>, vector<16xi32>,
    %get3A_156 = arith.constant 48 : index
    %get3A_157 = tpu.vector_load %arg7[%get3A_156] {strides = array<i32>} : memref<64xi32, #tpu.memory_space<vmem>>, vector<16xi32>,
    %get3A_158 = vector.shape_cast %get3A_157 : vector<16xi32> to vector<16xi32>
    %shift_right_logical3A_159 = arith.constant 12 : i32
    %shift_right_logical3A_160 = vector.broadcast %shift_right_logical3A_159 : i32 to vector<16xi32>
    %shift_right_logical3A_161 = arith.shrui %get3A_158, %shift_right_logical3A_160 : vector<16xi32>
    %and3A_162 = arith.constant 4095 : i32
    %and3A_163 = vector.broadcast %and3A_162 : i32 to vector<16xi32>
    %and3A_164 = arith.andi %get3A_158, %and3A_163 : vector<16xi32>
    %eq3A_165 = arith.constant 6 : i32
    %eq3A_166 = vector.broadcast %eq3A_165 : i32 to vector<16xi32>
    %eq3A_167 = arith.cmpi eq, %shift_right_logical3A_161, %eq3A_166 : vector<16xi32>
    %select_n3A_168 = arith.select %eq3A_167, %get3A_31, %get3A_34 : vector<16xi1>, vector<16xi32>
    %eq3A_169 = arith.constant 5 : i32
    %eq3A_170 = vector.broadcast %eq3A_169 : i32 to vector<16xi32>
    %eq3A_171 = arith.cmpi eq, %shift_right_logical3A_161, %eq3A_170 : vector<16xi32>
    %select_n3A_172 = arith.select %eq3A_171, %get3A_28, %select_n3A_168 : vector<16xi1>, vector<16xi32>
    %eq3A_173 = arith.constant 4 : i32
    %eq3A_174 = vector.broadcast %eq3A_173 : i32 to vector<16xi32>
    %eq3A_175 = arith.cmpi eq, %shift_right_logical3A_161, %eq3A_174 : vector<16xi32>
    %select_n3A_176 = arith.select %eq3A_175, %get3A_25, %select_n3A_172 : vector<16xi1>, vector<16xi32>
    %eq3A_177 = arith.constant 3 : i32
    %eq3A_178 = vector.broadcast %eq3A_177 : i32 to vector<16xi32>
    %eq3A_179 = arith.cmpi eq, %shift_right_logical3A_161, %eq3A_178 : vector<16xi32>
    %select_n3A_180 = arith.select %eq3A_179, %get3A_22, %select_n3A_176 : vector<16xi1>, vector<16xi32>
    %eq3A_181 = arith.constant 2 : i32
    %eq3A_182 = vector.broadcast %eq3A_181 : i32 to vector<16xi32>
    %eq3A_183 = arith.cmpi eq, %shift_right_logical3A_161, %eq3A_182 : vector<16xi32>
    %select_n3A_184 = arith.select %eq3A_183, %get3A_19, %select_n3A_180 : vector<16xi1>, vector<16xi32>
    %eq3A_185 = arith.constant 1 : i32
    %eq3A_186 = vector.broadcast %eq3A_185 : i32 to vector<16xi32>
    %eq3A_187 = arith.cmpi eq, %shift_right_logical3A_161, %eq3A_186 : vector<16xi32>
    %select_n3A_188 = arith.select %eq3A_187, %get3A_16, %select_n3A_184 : vector<16xi1>, vector<16xi32>
    %eq3A_189 = arith.constant 0 : i32
    %eq3A_190 = vector.broadcast %eq3A_189 : i32 to vector<16xi32>
    %eq3A_191 = arith.cmpi eq, %shift_right_logical3A_161, %eq3A_190 : vector<16xi32>
    %select_n3A_192 = arith.select %eq3A_191, %get3A_13, %select_n3A_188 : vector<16xi1>, vector<16xi32>
    %add3A_193 = arith.addi %and3A_164, %select_n3A_192 : vector<16xi32>
    %swap3A_194 = arith.constant 16 : index
    %swap3A_195 = tpu.vector_load %arg10[%swap3A_194] {strides = array<i32>} : memref<32xi32, #tpu.memory_space<vmem>>, vector<16xi32>,
    %swap3A_196 = vector.shape_cast %swap3A_195 : vector<16xi32> to vector<16xi32>
    %swap3A_197 = vector.shape_cast %add3A_193 : vector<16xi32> to vector<16xi32>
    tpu.vector_store %arg10[%swap3A_194], %swap3A_197 {strides = array<i32>} : memref<32xi32, #tpu.memory_space<vmem>>, vector<16xi32>,
    "tpu.region"() ({
      %run_scoped3A = tpu.sem_alloc : memref<!tpu.dma_semaphore, #tpu.memory_space<semaphore_mem>>
      %dma_start3A_219 = tpu.memref_slice %arg6[%mul3A_2] : memref<2048xi32, #tpu.memory_space<hbm>> -> memref<32xi32, #tpu.memory_space<hbm>>
      %dma_start3A_220 = tpu.memref_slice %arg6[%mul3A_2] : memref<2048xi32, #tpu.memory_space<hbm>> -> memref<32xi32, #tpu.memory_space<hbm>>
      tpu.enqueue_dma source(%arg9 : memref<32xi32, #tpu.memory_space<vmem>>) target(%dma_start3A_220 : memref<32xi32, #tpu.memory_space<hbm>>) target_semaphore(%run_scoped3A : memref<!tpu.dma_semaphore, #tpu.memory_space<semaphore_mem>>)
      %dma_wait3A_221 = tpu.memref_slice %arg6[%mul3A_2] : memref<2048xi32, #tpu.memory_space<hbm>> -> memref<32xi32, #tpu.memory_space<hbm>>
      %dma_wait3A_222 = tpu.memref_slice %arg6[%mul3A_2] : memref<2048xi32, #tpu.memory_space<hbm>> -> memref<32xi32, #tpu.memory_space<hbm>>
      tpu.wait_dma2 semaphore(%run_scoped3A : memref<!tpu.dma_semaphore, #tpu.memory_space<semaphore_mem>>) src(%arg9 : memref<32xi32, #tpu.memory_space<vmem>>) dst(%dma_wait3A_222 : memref<32xi32, #tpu.memory_space<hbm>>)
      tpu.yield
    }) : () -> ()
    %add3A_198 = arith.constant 32 : i32
    %add3A_199 = arith.addi %mul3A_2, %add3A_198 : i32
    "tpu.region"() ({
      %run_scoped3A = tpu.sem_alloc : memref<!tpu.dma_semaphore, #tpu.memory_space<semaphore_mem>>
      %dma_start3A_219 = tpu.memref_slice %arg6[%add3A_199] : memref<2048xi32, #tpu.memory_space<hbm>> -> memref<32xi32, #tpu.memory_space<hbm>>
      %dma_start3A_220 = tpu.memref_slice %arg6[%add3A_199] : memref<2048xi32, #tpu.memory_space<hbm>> -> memref<32xi32, #tpu.memory_space<hbm>>
      tpu.enqueue_dma source(%arg10 : memref<32xi32, #tpu.memory_space<vmem>>) target(%dma_start3A_220 : memref<32xi32, #tpu.memory_space<hbm>>) target_semaphore(%run_scoped3A : memref<!tpu.dma_semaphore, #tpu.memory_space<semaphore_mem>>)
      %dma_wait3A_221 = tpu.memref_slice %arg6[%add3A_199] : memref<2048xi32, #tpu.memory_space<hbm>> -> memref<32xi32, #tpu.memory_space<hbm>>
      %dma_wait3A_222 = tpu.memref_slice %arg6[%add3A_199] : memref<2048xi32, #tpu.memory_space<hbm>> -> memref<32xi32, #tpu.memory_space<hbm>>
      tpu.wait_dma2 semaphore(%run_scoped3A : memref<!tpu.dma_semaphore, #tpu.memory_space<semaphore_mem>>) src(%arg10 : memref<32xi32, #tpu.memory_space<vmem>>) dst(%dma_wait3A_222 : memref<32xi32, #tpu.memory_space<hbm>>)
      tpu.yield
    }) : () -> ()
    %dma_wait3A = arith.constant 0 : i32
    %dma_wait3A_200 = tpu.memref_slice %arg2[%mul3A_2, %dma_wait3A] : memref<2048x768xf32, #tpu.memory_space<hbm>> -> memref<32x768xf32, #tpu.memory_space<hbm>>
    %dma_wait3A_201 = arith.constant 0 : i32
    %dma_wait3A_202 = tpu.memref_slice %arg2[%mul3A_2, %dma_wait3A_201] : memref<2048x768xf32, #tpu.memory_space<hbm>> -> memref<32x768xf32, #tpu.memory_space<hbm>>
    tpu.wait_dma2 semaphore(%arg13 : memref<!tpu.dma_semaphore, #tpu.memory_space<semaphore_mem>>) src(%dma_wait3A_202 : memref<32x768xf32, #tpu.memory_space<hbm>>) dst(%arg11 : memref<32x768xf32, #tpu.memory_space<vmem>>)
    %dma_start3A_203 = arith.constant 0 : i32
    %dma_start3A_204 = arith.constant 0 : i32
    %dma_start3A_205 = tpu.memref_slice %arg5[%dma_start3A_203, %dma_start3A_204] : memref<3072x768xf32, #tpu.memory_space<hbm>> -> memref<3072x768xf32, #tpu.memory_space<hbm>>
    tpu.enqueue_indirect_dma source(%arg11 : memref<32x768xf32, #tpu.memory_space<vmem>>) target(%dma_start3A_205 : memref<3072x768xf32, #tpu.memory_space<hbm>>) offsets(%arg9 : memref<32xi32, #tpu.memory_space<vmem>>) semaphore(%arg15 : memref<!tpu.dma_semaphore, #tpu.memory_space<semaphore_mem>>)
    %dma_wait3A_206 = arith.constant 0 : i32
    %dma_wait3A_207 = tpu.memref_slice %arg2[%add3A_7, %dma_wait3A_206] : memref<2048x768xf32, #tpu.memory_space<hbm>> -> memref<32x768xf32, #tpu.memory_space<hbm>>
    %dma_wait3A_208 = arith.constant 0 : i32
    %dma_wait3A_209 = tpu.memref_slice %arg2[%add3A_7, %dma_wait3A_208] : memref<2048x768xf32, #tpu.memory_space<hbm>> -> memref<32x768xf32, #tpu.memory_space<hbm>>
    tpu.wait_dma2 semaphore(%arg14 : memref<!tpu.dma_semaphore, #tpu.memory_space<semaphore_mem>>) src(%dma_wait3A_209 : memref<32x768xf32, #tpu.memory_space<hbm>>) dst(%arg12 : memref<32x768xf32, #tpu.memory_space<vmem>>)
    %dma_wait3A_210 = arith.constant 0 : i32
    %dma_wait3A_211 = arith.constant 0 : i32
    %dma_wait3A_212 = tpu.memref_slice %arg5[%dma_wait3A_210, %dma_wait3A_211] : memref<3072x768xf32, #tpu.memory_space<hbm>> -> memref<3072x768xf32, #tpu.memory_space<hbm>>
    tpu.wait_indirect_dma semaphore(%arg15 : memref<!tpu.dma_semaphore, #tpu.memory_space<semaphore_mem>>) src(%arg11 : memref<32x768xf32, #tpu.memory_space<vmem>>) dst(%dma_wait3A_212 : memref<3072x768xf32, #tpu.memory_space<hbm>>)
    %dma_start3A_213 = arith.constant 0 : i32
    %dma_start3A_214 = arith.constant 0 : i32
    %dma_start3A_215 = tpu.memref_slice %arg5[%dma_start3A_213, %dma_start3A_214] : memref<3072x768xf32, #tpu.memory_space<hbm>> -> memref<3072x768xf32, #tpu.memory_space<hbm>>
    tpu.enqueue_indirect_dma source(%arg12 : memref<32x768xf32, #tpu.memory_space<vmem>>) target(%dma_start3A_215 : memref<3072x768xf32, #tpu.memory_space<hbm>>) offsets(%arg10 : memref<32xi32, #tpu.memory_space<vmem>>) semaphore(%arg15 : memref<!tpu.dma_semaphore, #tpu.memory_space<semaphore_mem>>)
    %dma_wait3A_216 = arith.constant 0 : i32
    %dma_wait3A_217 = arith.constant 0 : i32
    %dma_wait3A_218 = tpu.memref_slice %arg5[%dma_wait3A_216, %dma_wait3A_217] : memref<3072x768xf32, #tpu.memory_space<hbm>> -> memref<3072x768xf32, #tpu.memory_space<hbm>>
    tpu.wait_indirect_dma semaphore(%arg15 : memref<!tpu.dma_semaphore, #tpu.memory_space<semaphore_mem>>) src(%arg12 : memref<32x768xf32, #tpu.memory_space<vmem>>) dst(%dma_wait3A_218 : memref<3072x768xf32, #tpu.memory_space<hbm>>)
    return
  }
}

module attributes {stable_mosaic.version = 14 : i64} {
  func.func @_ffn_body(%arg0: i32, %arg1: memref<1024xi32, #tpu.memory_space<smem>>, %arg2: memref<128x768xf32, #tpu.memory_space<vmem>>, %arg3: memref<1x1536x768xf32, #tpu.memory_space<vmem>>, %arg4: memref<1x768x1536xf32, #tpu.memory_space<vmem>>, %arg5: memref<128x768xf32, #tpu.memory_space<vmem>>) attributes {dimension_semantics = [#tpu.dimension_semantics<arbitrary>], iteration_bounds = array<i64: 24>, scalar_prefetch = 1 : i64, scratch_operands = 0 : i64, tpu.core_type = #tpu.core_type<tc>, window_params = [{transform_indices = @transform_0, window_bounds = array<i64: 128, 768>}, {transform_indices = @transform_1, window_bounds = array<i64: 1, 1536, 768>}, {transform_indices = @transform_2, window_bounds = array<i64: 1, 768, 1536>}, {transform_indices = @transform_3, window_bounds = array<i64: 128, 768>}]} {
    %get3A = arith.constant 24 : index
    %get3A_0 = memref.load %arg1[%get3A] : memref<1024xi32, #tpu.memory_space<smem>>
    %lt3A = arith.cmpi slt, %arg0, %get3A_0 : i32
    %convert_element_type3A = arith.extui %lt3A : i1 to i32
    %cond3A = arith.constant 0 : i32
    %cond3A_1 = arith.cmpi ne, %convert_element_type3A, %cond3A : i32
    scf.if %cond3A_1 {
      %get3A_2 = arith.constant 0 : index
      %get3A_3 = arith.constant 0 : index
      %get3A_4 = vector.load %arg2[%get3A_2, %get3A_3] : memref<128x768xf32, #tpu.memory_space<vmem>>, vector<128x768xf32>
      %get3A_5 = arith.constant 0 : index
      %get3A_6 = arith.constant 0 : index
      %get3A_7 = arith.constant 0 : index
      %get3A_8 = vector.load %arg3[%get3A_5, %get3A_6, %get3A_7] : memref<1x1536x768xf32, #tpu.memory_space<vmem>>, vector<1x1536x768xf32>
      %get3A_9 = vector.shape_cast %get3A_8 : vector<1x1536x768xf32> to vector<1536x768xf32>
      %dot_general3A = arith.constant dense<0.000000e+00> : vector<128x1536xf32>
      %dot_general3A_10 = tpu.matmul %get3A_4, %get3A_9, %dot_general3A {dimension_numbers = #tpu.dot_dimension_numbers<[1], [1], [0], [0], [0, 0, 1, 0], [], []>, transpose_lhs_hint = false} : vector<128x768xf32>, vector<1536x768xf32>, vector<128x1536xf32> -> vector<128x1536xf32>
      %logistic3A = arith.negf %dot_general3A_10 : vector<128x1536xf32>
      %logistic3A_11 = math.exp %logistic3A : vector<128x1536xf32>
      %logistic3A_12 = arith.constant 1.000000e+00 : f32
      %logistic3A_13 = vector.broadcast %logistic3A_12 : f32 to vector<128x1536xf32>
      %logistic3A_14 = arith.addf %logistic3A_13, %logistic3A_11 : vector<128x1536xf32>
      %logistic3A_15 = arith.divf %logistic3A_13, %logistic3A_14 : vector<128x1536xf32>
      %mul3A = arith.mulf %dot_general3A_10, %logistic3A_15 : vector<128x1536xf32>
      %get3A_16 = arith.constant 0 : index
      %get3A_17 = arith.constant 0 : index
      %get3A_18 = arith.constant 0 : index
      %get3A_19 = vector.load %arg4[%get3A_16, %get3A_17, %get3A_18] : memref<1x768x1536xf32, #tpu.memory_space<vmem>>, vector<1x768x1536xf32>
      %get3A_20 = vector.shape_cast %get3A_19 : vector<1x768x1536xf32> to vector<768x1536xf32>
      %dot_general3A_21 = arith.constant dense<0.000000e+00> : vector<128x768xf32>
      %dot_general3A_22 = tpu.matmul %mul3A, %get3A_20, %dot_general3A_21 {dimension_numbers = #tpu.dot_dimension_numbers<[1], [1], [0], [0], [0, 0, 1, 0], [], []>, transpose_lhs_hint = false} : vector<128x1536xf32>, vector<768x1536xf32>, vector<128x768xf32> -> vector<128x768xf32>
      %swap3A = arith.constant 0 : index
      %swap3A_23 = arith.constant 0 : index
      %swap3A_24 = vector.load %arg5[%swap3A, %swap3A_23] : memref<128x768xf32, #tpu.memory_space<vmem>>, vector<128x768xf32>
      tpu.vector_store %arg5[%swap3A, %swap3A_23], %dot_general3A_22 {strides = array<i32>} : memref<128x768xf32, #tpu.memory_space<vmem>>, vector<128x768xf32>,
    } else {
    }
    return
  }
  func.func @transform_0(%arg0: i32, %arg1: memref<1024xi32, #tpu.memory_space<smem>>) -> (i32, i32) {
    %add3A = arith.constant 256 : i32
    %add3A_0 = arith.addi %add3A, %arg0 : i32
    %get3A = arith.index_cast %add3A_0 : i32 to index
    %get3A_1 = memref.load %arg1[%get3A] : memref<1024xi32, #tpu.memory_space<smem>>
    %c0_i32 = arith.constant 0 : i32
    %c0_i32_2 = arith.constant 0 : i32
    return %get3A_1, %c0_i32 : i32, i32
  }
  func.func @transform_1(%arg0: i32, %arg1: memref<1024xi32, #tpu.memory_space<smem>>) -> (i32, i32, i32) {
    %get3A = arith.index_cast %arg0 : i32 to index
    %get3A_0 = memref.load %arg1[%get3A] : memref<1024xi32, #tpu.memory_space<smem>>
    %c0_i32 = arith.constant 0 : i32
    %c0_i32_1 = arith.constant 0 : i32
    %c0_i32_2 = arith.constant 0 : i32
    return %get3A_0, %c0_i32, %c0_i32_1 : i32, i32, i32
  }
  func.func @transform_2(%arg0: i32, %arg1: memref<1024xi32, #tpu.memory_space<smem>>) -> (i32, i32, i32) {
    %get3A = arith.index_cast %arg0 : i32 to index
    %get3A_0 = memref.load %arg1[%get3A] : memref<1024xi32, #tpu.memory_space<smem>>
    %c0_i32 = arith.constant 0 : i32
    %c0_i32_1 = arith.constant 0 : i32
    %c0_i32_2 = arith.constant 0 : i32
    return %get3A_0, %c0_i32, %c0_i32_1 : i32, i32, i32
  }
  func.func @transform_3(%arg0: i32, %arg1: memref<1024xi32, #tpu.memory_space<smem>>) -> (i32, i32) {
    %add3A = arith.constant 256 : i32
    %add3A_0 = arith.addi %add3A, %arg0 : i32
    %get3A = arith.index_cast %add3A_0 : i32 to index
    %get3A_1 = memref.load %arg1[%get3A] : memref<1024xi32, #tpu.memory_space<smem>>
    %c0_i32 = arith.constant 0 : i32
    %c0_i32_2 = arith.constant 0 : i32
    return %get3A_1, %c0_i32 : i32, i32
  }
}

module attributes {stable_mosaic.version = 14 : i64} {
  func.func @_router_body(%arg0: i32, %arg1: memref<512x768xf32, #tpu.memory_space<vmem>>, %arg2: memref<8x768xf32, #tpu.memory_space<vmem>>, %arg3: memref<8xf32, #tpu.memory_space<vmem>>, %arg4: memref<16x128xi32, #tpu.memory_space<vmem>>, %arg5: memref<8x128xi32, #tpu.memory_space<vmem>>, %arg6: memref<8x8xf32, #tpu.memory_space<vmem>>) attributes {dimension_semantics = [#tpu.dimension_semantics<arbitrary>], iteration_bounds = array<i64: 4>, scalar_prefetch = 0 : i64, scratch_operands = 1 : i64, tpu.core_type = #tpu.core_type<tc>, window_params = [{transform_indices = @transform_0, window_bounds = array<i64: 512, 768>}, {pipeline_mode = #tpu.pipeline_mode<synchronous>, transform_indices = @transform_1, window_bounds = array<i64: 8, 768>}, {pipeline_mode = #tpu.pipeline_mode<synchronous>, transform_indices = @transform_2, window_bounds = array<i64: 8>}, {pipeline_mode = #tpu.pipeline_mode<synchronous>, transform_indices = @transform_3, window_bounds = array<i64: 16, 128>}, {pipeline_mode = #tpu.pipeline_mode<synchronous>, transform_indices = @transform_4, window_bounds = array<i64: 8, 128>}]} {
    %eq3A = arith.constant 0 : i32
    %eq3A_0 = arith.cmpi eq, %arg0, %eq3A : i32
    %convert_element_type3A = arith.extui %eq3A_0 : i1 to i32
    %cond3A = arith.constant 0 : i32
    %cond3A_1 = arith.cmpi ne, %convert_element_type3A, %cond3A : i32
    scf.if %cond3A_1 {
      %broadcast_in_dim3A_117 = arith.constant 0.000000e+00 : f32
      %broadcast_in_dim3A_118 = vector.broadcast %broadcast_in_dim3A_117 : f32 to vector<8x8xf32>
      %swap3A_119 = arith.constant 0 : index
      %swap3A_120 = arith.constant 0 : index
      %swap3A_121 = vector.load %arg6[%swap3A_119, %swap3A_120] : memref<8x8xf32, #tpu.memory_space<vmem>>, vector<8x8xf32>
      tpu.vector_store %arg6[%swap3A_119, %swap3A_120], %broadcast_in_dim3A_118 {strides = array<i32>} : memref<8x8xf32, #tpu.memory_space<vmem>>, vector<8x8xf32>,
    } else {
    }
    %get3A = arith.constant 0 : index
    %get3A_2 = arith.constant 0 : index
    %get3A_3 = vector.load %arg1[%get3A, %get3A_2] : memref<512x768xf32, #tpu.memory_space<vmem>>, vector<512x768xf32>
    %get3A_4 = arith.constant 0 : index
    %get3A_5 = arith.constant 0 : index
    %get3A_6 = vector.load %arg2[%get3A_4, %get3A_5] : memref<8x768xf32, #tpu.memory_space<vmem>>, vector<8x768xf32>
    %dot_general3A = arith.constant dense<0.000000e+00> : vector<512x8xf32>
    %dot_general3A_7 = tpu.matmul %get3A_3, %get3A_6, %dot_general3A {dimension_numbers = #tpu.dot_dimension_numbers<[1], [1], [0], [0], [0, 0, 1, 0], [], []>, transpose_lhs_hint = false} : vector<512x768xf32>, vector<8x768xf32>, vector<512x8xf32> -> vector<512x8xf32>
    %get3A_8 = arith.constant 0 : index
    %get3A_9 = vector.load %arg3[%get3A_8] : memref<8xf32, #tpu.memory_space<vmem>>, vector<8xf32>
    %reshape3A = vector.shape_cast %get3A_9 : vector<8xf32> to vector<1x8xf32>
    %add3A = vector.broadcast %reshape3A : vector<1x8xf32> to vector<512x8xf32>
    %add3A_10 = arith.addf %dot_general3A_7, %add3A : vector<512x8xf32>
    %iota3A = tpu.iota {dimensions = array<i32: 1>} : vector<512x8xi32>
    %reduce_max3A = arith.constant dense<0xFF800000> : vector<512xf32>
    %reduce_max3A_11 = vector.multi_reduction <maximumf>, %add3A_10, %reduce_max3A [1] : vector<512x8xf32> to vector<512xf32>
    %broadcast_in_dim3A = vector.shape_cast %reduce_max3A_11 : vector<512xf32> to vector<512x1xf32>
    %ge3A = vector.broadcast %broadcast_in_dim3A : vector<512x1xf32> to vector<512x8xf32>
    %ge3A_12 = arith.cmpf oge, %add3A_10, %ge3A : vector<512x8xf32>
    %jit3A = arith.constant 8 : i32
    %broadcast_in_dim3A_13 = vector.broadcast %jit3A : i32 to vector<512x8xi32>
    %select_n3A = arith.select %ge3A_12, %iota3A, %broadcast_in_dim3A_13 : vector<512x8xi1>, vector<512x8xi32>
    %reduce_min3A = arith.constant dense<2147483647> : vector<512xi32>
    %reduce_min3A_14 = vector.multi_reduction <minsi>, %select_n3A, %reduce_min3A [1] : vector<512x8xi32> to vector<512xi32>
    %broadcast_in_dim3A_15 = vector.shape_cast %reduce_min3A_14 : vector<512xi32> to vector<512x1xi32>
    %eq3A_16 = vector.broadcast %broadcast_in_dim3A_15 : vector<512x1xi32> to vector<512x8xi32>
    %eq3A_17 = arith.cmpi eq, %iota3A, %eq3A_16 : vector<512x8xi32>
    %convert_element_type3A_18 = arith.extui %eq3A_17 : vector<512x8xi1> to vector<512x8xi32>
    %convert_element_type3A_19 = arith.sitofp %convert_element_type3A_18 : vector<512x8xi32> to vector<512x8xf32>
    %iota3A_20 = tpu.iota {dimensions = array<i32: 0>} : vector<512x512xi32>
    %iota3A_21 = tpu.iota {dimensions = array<i32: 1>} : vector<512x512xi32>
    %lt3A = arith.cmpi slt, %iota3A_21, %iota3A_20 : vector<512x512xi32>
    %convert_element_type3A_22 = arith.extui %lt3A : vector<512x512xi1> to vector<512x512xi32>
    %convert_element_type3A_23 = arith.sitofp %convert_element_type3A_22 : vector<512x512xi32> to vector<512x512xf32>
    %dot_general3A_24 = arith.constant dense<0.000000e+00> : vector<512x8xf32>
    %dot_general3A_25 = tpu.matmul %convert_element_type3A_23, %convert_element_type3A_19, %dot_general3A_24 {dimension_numbers = #tpu.dot_dimension_numbers<[1], [0], [0], [1], [0, 0, 1, 1], [], []>, transpose_lhs_hint = false} : vector<512x512xf32>, vector<512x8xf32>, vector<512x8xf32> -> vector<512x8xf32>
    %get3A_26 = arith.constant 0 : index
    %get3A_27 = arith.constant 0 : index
    %get3A_28 = vector.load %arg6[%get3A_26, %get3A_27] : memref<8x8xf32, #tpu.memory_space<vmem>>, vector<1x8xf32>
    %mul3A = arith.mulf %dot_general3A_25, %convert_element_type3A_19 : vector<512x8xf32>
    %reduce_sum3A = arith.constant dense<0.000000e+00> : vector<512xf32>
    %reduce_sum3A_29 = vector.multi_reduction <add>, %mul3A, %reduce_sum3A [1] : vector<512x8xf32> to vector<512xf32>
    %broadcast_in_dim3A_30 = vector.shape_cast %reduce_sum3A_29 : vector<512xf32> to vector<512x1xf32>
    %mul3A_31 = vector.broadcast %get3A_28 : vector<1x8xf32> to vector<512x8xf32>
    %mul3A_32 = arith.mulf %convert_element_type3A_19, %mul3A_31 : vector<512x8xf32>
    %reduce_sum3A_33 = arith.constant dense<0.000000e+00> : vector<512xf32>
    %reduce_sum3A_34 = vector.multi_reduction <add>, %mul3A_32, %reduce_sum3A_33 [1] : vector<512x8xf32> to vector<512xf32>
    %broadcast_in_dim3A_35 = vector.shape_cast %reduce_sum3A_34 : vector<512xf32> to vector<512x1xf32>
    %add3A_36 = arith.addf %broadcast_in_dim3A_30, %broadcast_in_dim3A_35 : vector<512x1xf32>
    %get3A_37 = arith.constant 0 : index
    %get3A_38 = arith.constant 0 : index
    %get3A_39 = vector.load %arg6[%get3A_37, %get3A_38] : memref<8x8xf32, #tpu.memory_space<vmem>>, vector<8x8xf32>
    %reduce_sum3A_40 = arith.constant dense<0.000000e+00> : vector<8xf32>
    %reduce_sum3A_41 = vector.multi_reduction <add>, %convert_element_type3A_19, %reduce_sum3A_40 [0] : vector<512x8xf32> to vector<8xf32>
    %broadcast_in_dim3A_42 = vector.shape_cast %reduce_sum3A_41 : vector<8xf32> to vector<1x8xf32>
    %add3A_43 = vector.broadcast %broadcast_in_dim3A_42 : vector<1x8xf32> to vector<8x8xf32>
    %add3A_44 = arith.addf %get3A_39, %add3A_43 : vector<8x8xf32>
    %swap3A = arith.constant 0 : index
    %swap3A_45 = arith.constant 0 : index
    %swap3A_46 = vector.load %arg6[%swap3A, %swap3A_45] : memref<8x8xf32, #tpu.memory_space<vmem>>, vector<8x8xf32>
    tpu.vector_store %arg6[%swap3A, %swap3A_45], %add3A_44 {strides = array<i32>} : memref<8x8xf32, #tpu.memory_space<vmem>>, vector<8x8xf32>,
    %convert_element_type3A_47 = arith.sitofp %broadcast_in_dim3A_15 : vector<512x1xi32> to vector<512x1xf32>
    %mul3A_48 = arith.constant 4.096000e+03 : f32
    %mul3A_49 = vector.broadcast %mul3A_48 : f32 to vector<512x1xf32>
    %mul3A_50 = arith.mulf %convert_element_type3A_47, %mul3A_49 : vector<512x1xf32>
    %add3A_51 = arith.addf %mul3A_50, %add3A_36 : vector<512x1xf32>
    %iota3A_52 = tpu.iota {dimensions = array<i32: 0>} : vector<128x128xi32>
    %iota3A_53 = tpu.iota {dimensions = array<i32: 1>} : vector<128x128xi32>
    %eq3A_54 = arith.cmpi eq, %iota3A_52, %iota3A_53 : vector<128x128xi32>
    %convert_element_type3A_55 = arith.extui %eq3A_54 : vector<128x128xi1> to vector<128x128xi32>
    %convert_element_type3A_56 = arith.sitofp %convert_element_type3A_55 : vector<128x128xi32> to vector<128x128xf32>
    %slice3A = vector.extract_strided_slice %add3A_51 {offsets = [0, 0], sizes = [128, 1], strides = [1, 1]} : vector<512x1xf32> to vector<128x1xf32>
    %mul3A_57 = vector.broadcast %slice3A : vector<128x1xf32> to vector<128x128xf32>
    %mul3A_58 = arith.mulf %convert_element_type3A_56, %mul3A_57 : vector<128x128xf32>
    %reduce_sum3A_59 = arith.constant dense<0.000000e+00> : vector<128xf32>
    %reduce_sum3A_60 = vector.multi_reduction <add>, %mul3A_58, %reduce_sum3A_59 [0] : vector<128x128xf32> to vector<128xf32>
    %broadcast_in_dim3A_61 = vector.shape_cast %reduce_sum3A_60 : vector<128xf32> to vector<1x128xf32>
    %convert_element_type3A_62 = arith.fptosi %broadcast_in_dim3A_61 : vector<1x128xf32> to vector<1x128xi32>
    %mul3A_63 = arith.constant 4 : i32
    %mul3A_64 = arith.muli %mul3A_63, %arg0 : i32
    %add3A_65 = arith.constant 0 : i32
    %add3A_66 = arith.addi %mul3A_64, %add3A_65 : i32
    %swap3A_67 = arith.index_cast %add3A_66 : i32 to index
    %swap3A_68 = arith.constant 0 : index
    %swap3A_69 = vector.load %arg4[%swap3A_67, %swap3A_68] : memref<16x128xi32, #tpu.memory_space<vmem>>, vector<1x128xi32>
    tpu.vector_store %arg4[%swap3A_67, %swap3A_68], %convert_element_type3A_62 {strides = array<i32>} : memref<16x128xi32, #tpu.memory_space<vmem>>, vector<1x128xi32>,
    %slice3A_70 = vector.extract_strided_slice %add3A_51 {offsets = [128, 0], sizes = [128, 1], strides = [1, 1]} : vector<512x1xf32> to vector<128x1xf32>
    %mul3A_71 = vector.broadcast %slice3A_70 : vector<128x1xf32> to vector<128x128xf32>
    %mul3A_72 = arith.mulf %convert_element_type3A_56, %mul3A_71 : vector<128x128xf32>
    %reduce_sum3A_73 = arith.constant dense<0.000000e+00> : vector<128xf32>
    %reduce_sum3A_74 = vector.multi_reduction <add>, %mul3A_72, %reduce_sum3A_73 [0] : vector<128x128xf32> to vector<128xf32>
    %broadcast_in_dim3A_75 = vector.shape_cast %reduce_sum3A_74 : vector<128xf32> to vector<1x128xf32>
    %convert_element_type3A_76 = arith.fptosi %broadcast_in_dim3A_75 : vector<1x128xf32> to vector<1x128xi32>
    %mul3A_77 = arith.constant 4 : i32
    %mul3A_78 = arith.muli %mul3A_77, %arg0 : i32
    %add3A_79 = arith.constant 1 : i32
    %add3A_80 = arith.addi %mul3A_78, %add3A_79 : i32
    %swap3A_81 = arith.index_cast %add3A_80 : i32 to index
    %swap3A_82 = arith.constant 0 : index
    %swap3A_83 = vector.load %arg4[%swap3A_81, %swap3A_82] : memref<16x128xi32, #tpu.memory_space<vmem>>, vector<1x128xi32>
    tpu.vector_store %arg4[%swap3A_81, %swap3A_82], %convert_element_type3A_76 {strides = array<i32>} : memref<16x128xi32, #tpu.memory_space<vmem>>, vector<1x128xi32>,
    %slice3A_84 = vector.extract_strided_slice %add3A_51 {offsets = [256, 0], sizes = [128, 1], strides = [1, 1]} : vector<512x1xf32> to vector<128x1xf32>
    %mul3A_85 = vector.broadcast %slice3A_84 : vector<128x1xf32> to vector<128x128xf32>
    %mul3A_86 = arith.mulf %convert_element_type3A_56, %mul3A_85 : vector<128x128xf32>
    %reduce_sum3A_87 = arith.constant dense<0.000000e+00> : vector<128xf32>
    %reduce_sum3A_88 = vector.multi_reduction <add>, %mul3A_86, %reduce_sum3A_87 [0] : vector<128x128xf32> to vector<128xf32>
    %broadcast_in_dim3A_89 = vector.shape_cast %reduce_sum3A_88 : vector<128xf32> to vector<1x128xf32>
    %convert_element_type3A_90 = arith.fptosi %broadcast_in_dim3A_89 : vector<1x128xf32> to vector<1x128xi32>
    %mul3A_91 = arith.constant 4 : i32
    %mul3A_92 = arith.muli %mul3A_91, %arg0 : i32
    %add3A_93 = arith.constant 2 : i32
    %add3A_94 = arith.addi %mul3A_92, %add3A_93 : i32
    %swap3A_95 = arith.index_cast %add3A_94 : i32 to index
    %swap3A_96 = arith.constant 0 : index
    %swap3A_97 = vector.load %arg4[%swap3A_95, %swap3A_96] : memref<16x128xi32, #tpu.memory_space<vmem>>, vector<1x128xi32>
    tpu.vector_store %arg4[%swap3A_95, %swap3A_96], %convert_element_type3A_90 {strides = array<i32>} : memref<16x128xi32, #tpu.memory_space<vmem>>, vector<1x128xi32>,
    %slice3A_98 = vector.extract_strided_slice %add3A_51 {offsets = [384, 0], sizes = [128, 1], strides = [1, 1]} : vector<512x1xf32> to vector<128x1xf32>
    %mul3A_99 = vector.broadcast %slice3A_98 : vector<128x1xf32> to vector<128x128xf32>
    %mul3A_100 = arith.mulf %convert_element_type3A_56, %mul3A_99 : vector<128x128xf32>
    %reduce_sum3A_101 = arith.constant dense<0.000000e+00> : vector<128xf32>
    %reduce_sum3A_102 = vector.multi_reduction <add>, %mul3A_100, %reduce_sum3A_101 [0] : vector<128x128xf32> to vector<128xf32>
    %broadcast_in_dim3A_103 = vector.shape_cast %reduce_sum3A_102 : vector<128xf32> to vector<1x128xf32>
    %convert_element_type3A_104 = arith.fptosi %broadcast_in_dim3A_103 : vector<1x128xf32> to vector<1x128xi32>
    %mul3A_105 = arith.constant 4 : i32
    %mul3A_106 = arith.muli %mul3A_105, %arg0 : i32
    %add3A_107 = arith.constant 3 : i32
    %add3A_108 = arith.addi %mul3A_106, %add3A_107 : i32
    %swap3A_109 = arith.index_cast %add3A_108 : i32 to index
    %swap3A_110 = arith.constant 0 : index
    %swap3A_111 = vector.load %arg4[%swap3A_109, %swap3A_110] : memref<16x128xi32, #tpu.memory_space<vmem>>, vector<1x128xi32>
    tpu.vector_store %arg4[%swap3A_109, %swap3A_110], %convert_element_type3A_104 {strides = array<i32>} : memref<16x128xi32, #tpu.memory_space<vmem>>, vector<1x128xi32>,
    %eq3A_112 = arith.constant 3 : i32
    %eq3A_113 = arith.cmpi eq, %arg0, %eq3A_112 : i32
    %convert_element_type3A_114 = arith.extui %eq3A_113 : i1 to i32
    %cond3A_115 = arith.constant 0 : i32
    %cond3A_116 = arith.cmpi ne, %convert_element_type3A_114, %cond3A_115 : i32
    scf.if %cond3A_116 {
      %get3A_117 = arith.constant 0 : index
      %get3A_118 = arith.constant 0 : index
      %get3A_119 = vector.load %arg6[%get3A_117, %get3A_118] : memref<8x8xf32, #tpu.memory_space<vmem>>, vector<1x8xf32>
      %convert_element_type3A_120 = arith.fptosi %get3A_119 : vector<1x8xf32> to vector<1x8xi32>
      %add3A_121 = arith.constant 127 : i32
      %add3A_122 = vector.broadcast %add3A_121 : i32 to vector<1x8xi32>
      %add3A_123 = arith.addi %convert_element_type3A_120, %add3A_122 : vector<1x8xi32>
      %shift_right_arithmetic3A = arith.constant 7 : i32
      %shift_right_arithmetic3A_124 = vector.broadcast %shift_right_arithmetic3A : i32 to vector<1x8xi32>
      %shift_right_arithmetic3A_125 = arith.shrsi %add3A_123, %shift_right_arithmetic3A_124 : vector<1x8xi32>
      %shift_left3A = arith.constant 7 : i32
      %shift_left3A_126 = vector.broadcast %shift_left3A : i32 to vector<1x8xi32>
      %shift_left3A_127 = arith.shli %shift_right_arithmetic3A_125, %shift_left3A_126 : vector<1x8xi32>
      %convert_element_type3A_128 = arith.sitofp %shift_left3A_127 : vector<1x8xi32> to vector<1x8xf32>
      %iota3A_129 = tpu.iota {dimensions = array<i32: 0>} : vector<8x8xi32>
      %iota3A_130 = tpu.iota {dimensions = array<i32: 1>} : vector<8x8xi32>
      %lt3A_131 = arith.cmpi slt, %iota3A_129, %iota3A_130 : vector<8x8xi32>
      %convert_element_type3A_132 = arith.extui %lt3A_131 : vector<8x8xi1> to vector<8x8xi32>
      %convert_element_type3A_133 = arith.sitofp %convert_element_type3A_132 : vector<8x8xi32> to vector<8x8xf32>
      %broadcast_in_dim3A_134 = vector.shape_cast %convert_element_type3A_128 : vector<1x8xf32> to vector<1x8xf32>
      %broadcast_in_dim3A_135 = vector.broadcast %broadcast_in_dim3A_134 : vector<1x8xf32> to vector<8x8xf32>
      %dot_general3A_136 = arith.constant dense<0.000000e+00> : vector<8x8xf32>
      %dot_general3A_137 = tpu.matmul %broadcast_in_dim3A_135, %convert_element_type3A_133, %dot_general3A_136 {dimension_numbers = #tpu.dot_dimension_numbers<[1], [0], [0], [1], [0, 0, 1, 1], [], []>, transpose_lhs_hint = false} : vector<8x8xf32>, vector<8x8xf32>, vector<8x8xf32> -> vector<8x8xf32>
      %slice3A_138 = vector.extract_strided_slice %dot_general3A_137 {offsets = [0, 0], sizes = [1, 8], strides = [1, 1]} : vector<8x8xf32> to vector<1x8xf32>
      %reduce_sum3A_139 = vector.shape_cast %convert_element_type3A_128 : vector<1x8xf32> to vector<1x1x8xf32>
      %reduce_sum3A_140 = arith.constant dense<0.000000e+00> : vector<1xf32>
      %reduce_sum3A_141 = vector.multi_reduction <add>, %reduce_sum3A_139, %reduce_sum3A_140 [1, 2] : vector<1x1x8xf32> to vector<1xf32>
      %reduce_sum3A_142 = vector.shape_cast %reduce_sum3A_141 : vector<1xf32> to vector<1x1x1xf32>
      %reduce_sum3A_143 = vector.extract %reduce_sum3A_142[0, 0, 0] : f32 from vector<1x1x1xf32>
      %mul3A_144 = arith.constant 7.812500e-03 : f32
      %mul3A_145 = arith.mulf %reduce_sum3A_143, %mul3A_144 : f32
      %convert_element_type3A_146 = arith.fptosi %mul3A_145 : f32 to i32
      %broadcast_in_dim3A_147 = vector.shape_cast %slice3A_138 : vector<1x8xf32> to vector<1x8xf32>
      %broadcast_in_dim3A_148 = vector.broadcast %broadcast_in_dim3A_147 : vector<1x8xf32> to vector<128x8xf32>
      %iota3A_149 = tpu.iota {dimensions = array<i32: 0>} : vector<128x8xi32>
      %mul3A_150 = arith.constant 128 : i32
      %mul3A_151 = vector.broadcast %mul3A_150 : i32 to vector<128x8xi32>
      %mul3A_152 = arith.muli %iota3A_149, %mul3A_151 : vector<128x8xi32>
      %convert_element_type3A_153 = arith.sitofp %mul3A_152 : vector<128x8xi32> to vector<128x8xf32>
      %le3A = arith.cmpf ole, %broadcast_in_dim3A_148, %convert_element_type3A_153 : vector<128x8xf32>
      %jit3A_154 = arith.constant 1 : i32
      %jit3A_155 = arith.constant 0 : i32
      %broadcast_in_dim3A_156 = vector.broadcast %jit3A_154 : i32 to vector<128x8xi32>
      %broadcast_in_dim3A_157 = vector.broadcast %jit3A_155 : i32 to vector<128x8xi32>
      %select_n3A_158 = arith.select %le3A, %broadcast_in_dim3A_156, %broadcast_in_dim3A_157 : vector<128x8xi1>, vector<128x8xi32>
      %reduce_sum3A_159 = arith.constant dense<0> : vector<128xi32>
      %reduce_sum3A_160 = vector.multi_reduction <add>, %select_n3A_158, %reduce_sum3A_159 [1] : vector<128x8xi32> to vector<128xi32>
      %broadcast_in_dim3A_161 = vector.shape_cast %reduce_sum3A_160 : vector<128xi32> to vector<128x1xi32>
      %sub3A = arith.constant 1.280000e+02 : f32
      %sub3A_162 = arith.subf %reduce_sum3A_143, %sub3A : f32
      %le3A_163 = vector.broadcast %sub3A_162 : f32 to vector<1x8xf32>
      %le3A_164 = arith.cmpf ole, %slice3A_138, %le3A_163 : vector<1x8xf32>
      %jit3A_165 = arith.constant 1 : i32
      %jit3A_166 = arith.constant 0 : i32
      %broadcast_in_dim3A_167 = vector.broadcast %jit3A_165 : i32 to vector<1x8xi32>
      %broadcast_in_dim3A_168 = vector.broadcast %jit3A_166 : i32 to vector<1x8xi32>
      %select_n3A_169 = arith.select %le3A_164, %broadcast_in_dim3A_167, %broadcast_in_dim3A_168 : vector<1x8xi1>, vector<1x8xi32>
      %reduce_sum3A_170 = vector.shape_cast %select_n3A_169 : vector<1x8xi32> to vector<1x1x8xi32>
      %reduce_sum3A_171 = arith.constant dense<0> : vector<1xi32>
      %reduce_sum3A_172 = vector.multi_reduction <add>, %reduce_sum3A_170, %reduce_sum3A_171 [1, 2] : vector<1x1x8xi32> to vector<1xi32>
      %reduce_sum3A_173 = vector.shape_cast %reduce_sum3A_172 : vector<1xi32> to vector<1x1x1xi32>
      %reduce_sum3A_174 = vector.extract %reduce_sum3A_173[0, 0, 0] : i32 from vector<1x1x1xi32>
      %sub3A_175 = arith.constant 1 : i32
      %sub3A_176 = arith.subi %reduce_sum3A_174, %sub3A_175 : i32
      %sub3A_177 = arith.constant 1 : i32
      %sub3A_178 = vector.broadcast %sub3A_177 : i32 to vector<128x1xi32>
      %sub3A_179 = arith.subi %broadcast_in_dim3A_161, %sub3A_178 : vector<128x1xi32>
      %min3A = vector.broadcast %sub3A_176 : i32 to vector<128x1xi32>
      %min3A_180 = arith.minsi %sub3A_179, %min3A : vector<128x1xi32>
      %convert_element_type3A_181 = arith.sitofp %min3A_180 : vector<128x1xi32> to vector<128x1xf32>
      %mul3A_182 = vector.broadcast %convert_element_type3A_181 : vector<128x1xf32> to vector<128x128xf32>
      %mul3A_183 = arith.mulf %convert_element_type3A_56, %mul3A_182 : vector<128x128xf32>
      %reduce_sum3A_184 = arith.constant dense<0.000000e+00> : vector<128xf32>
      %reduce_sum3A_185 = vector.multi_reduction <add>, %mul3A_183, %reduce_sum3A_184 [0] : vector<128x128xf32> to vector<128xf32>
      %broadcast_in_dim3A_186 = vector.shape_cast %reduce_sum3A_185 : vector<128xf32> to vector<1x128xf32>
      %slice3A_187 = vector.extract_strided_slice %iota3A_53 {offsets = [0, 0], sizes = [1, 128], strides = [1, 1]} : vector<128x128xi32> to vector<1x128xi32>
      %eq3A_188 = arith.constant 24 : i32
      %eq3A_189 = vector.broadcast %eq3A_188 : i32 to vector<1x128xi32>
      %eq3A_190 = arith.cmpi eq, %slice3A_187, %eq3A_189 : vector<1x128xi32>
      %convert_element_type3A_191 = arith.fptosi %broadcast_in_dim3A_186 : vector<1x128xf32> to vector<1x128xi32>
      %broadcast_in_dim3A_192 = vector.broadcast %convert_element_type3A_146 : i32 to vector<1x128xi32>
      %select_n3A_193 = arith.select %eq3A_190, %broadcast_in_dim3A_192, %convert_element_type3A_191 : vector<1x128xi1>, vector<1x128xi32>
      %iota3A_194 = tpu.iota {dimensions = array<i32: 0>} : vector<8x128xi32>
      %iota3A_195 = tpu.iota {dimensions = array<i32: 1>} : vector<8x128xi32>
      %shift_right_arithmetic3A_196 = arith.constant 4 : i32
      %shift_right_arithmetic3A_197 = vector.broadcast %shift_right_arithmetic3A_196 : i32 to vector<8x128xi32>
      %shift_right_arithmetic3A_198 = arith.shrsi %iota3A_195, %shift_right_arithmetic3A_197 : vector<8x128xi32>
      %eq3A_199 = arith.cmpi eq, %iota3A_194, %shift_right_arithmetic3A_198 : vector<8x128xi32>
      %convert_element_type3A_200 = arith.extui %eq3A_199 : vector<8x128xi1> to vector<8x128xi32>
      %convert_element_type3A_201 = arith.sitofp %convert_element_type3A_200 : vector<8x128xi32> to vector<8x128xf32>
      %dot_general3A_202 = arith.constant dense<0.000000e+00> : vector<1x128xf32>
      %dot_general3A_203 = tpu.matmul %slice3A_138, %convert_element_type3A_201, %dot_general3A_202 {dimension_numbers = #tpu.dot_dimension_numbers<[1], [0], [0], [1], [0, 0, 1, 1], [], []>, transpose_lhs_hint = false} : vector<1x8xf32>, vector<8x128xf32>, vector<1x128xf32> -> vector<1x128xf32>
      %convert_element_type3A_204 = arith.fptosi %dot_general3A_203 : vector<1x128xf32> to vector<1x128xi32>
      %sub3A_205 = arith.constant 1 : i32
      %sub3A_206 = arith.subi %convert_element_type3A_146, %sub3A_205 : i32
      %min3A_207 = vector.broadcast %sub3A_206 : i32 to vector<1x128xi32>
      %min3A_208 = arith.minsi %slice3A_187, %min3A_207 : vector<1x128xi32>
      %iota3A_209 = tpu.iota {dimensions = array<i32: 0>} : vector<8x128xi32>
      %eq3A_210 = arith.constant 0 : i32
      %eq3A_211 = vector.broadcast %eq3A_210 : i32 to vector<8x128xi32>
      %eq3A_212 = arith.cmpi eq, %iota3A_209, %eq3A_211 : vector<8x128xi32>
      %broadcast_in_dim3A_213 = vector.shape_cast %select_n3A_193 : vector<1x128xi32> to vector<1x128xi32>
      %broadcast_in_dim3A_214 = vector.broadcast %broadcast_in_dim3A_213 : vector<1x128xi32> to vector<8x128xi32>
      %eq3A_215 = arith.constant 1 : i32
      %eq3A_216 = vector.broadcast %eq3A_215 : i32 to vector<8x128xi32>
      %eq3A_217 = arith.cmpi eq, %iota3A_209, %eq3A_216 : vector<8x128xi32>
      %broadcast_in_dim3A_218 = vector.shape_cast %convert_element_type3A_204 : vector<1x128xi32> to vector<1x128xi32>
      %broadcast_in_dim3A_219 = vector.broadcast %broadcast_in_dim3A_218 : vector<1x128xi32> to vector<8x128xi32>
      %eq3A_220 = arith.constant 2 : i32
      %eq3A_221 = vector.broadcast %eq3A_220 : i32 to vector<8x128xi32>
      %eq3A_222 = arith.cmpi eq, %iota3A_209, %eq3A_221 : vector<8x128xi32>
      %broadcast_in_dim3A_223 = vector.shape_cast %min3A_208 : vector<1x128xi32> to vector<1x128xi32>
      %broadcast_in_dim3A_224 = vector.broadcast %broadcast_in_dim3A_223 : vector<1x128xi32> to vector<8x128xi32>
      %jit3A_225 = arith.constant 0 : i32
      %broadcast_in_dim3A_226 = vector.broadcast %jit3A_225 : i32 to vector<8x128xi32>
      %select_n3A_227 = arith.select %eq3A_222, %broadcast_in_dim3A_224, %broadcast_in_dim3A_226 : vector<8x128xi1>, vector<8x128xi32>
      %select_n3A_228 = arith.select %eq3A_217, %broadcast_in_dim3A_219, %select_n3A_227 : vector<8x128xi1>, vector<8x128xi32>
      %select_n3A_229 = arith.select %eq3A_212, %broadcast_in_dim3A_214, %select_n3A_228 : vector<8x128xi1>, vector<8x128xi32>
      %swap3A_230 = arith.constant 0 : index
      %swap3A_231 = arith.constant 0 : index
      %swap3A_232 = vector.load %arg5[%swap3A_230, %swap3A_231] : memref<8x128xi32, #tpu.memory_space<vmem>>, vector<8x128xi32>
      tpu.vector_store %arg5[%swap3A_230, %swap3A_231], %select_n3A_229 {strides = array<i32>} : memref<8x128xi32, #tpu.memory_space<vmem>>, vector<8x128xi32>,
    } else {
    }
    return
  }
  func.func @transform_0(%arg0: i32) -> (i32, i32) {
    %c0_i32 = arith.constant 0 : i32
    %c0_i32_0 = arith.constant 0 : i32
    return %arg0, %c0_i32 : i32, i32
  }
  func.func @transform_1(%arg0: i32) -> (i32, i32) {
    %c0_i32 = arith.constant 0 : i32
    %c0_i32_0 = arith.constant 0 : i32
    %c0_i32_1 = arith.constant 0 : i32
    return %c0_i32, %c0_i32_0 : i32, i32
  }
  func.func @transform_2(%arg0: i32) -> i32 {
    %c0_i32 = arith.constant 0 : i32
    %c0_i32_0 = arith.constant 0 : i32
    return %c0_i32 : i32
  }
  func.func @transform_3(%arg0: i32) -> (i32, i32) {
    %c0_i32 = arith.constant 0 : i32
    %c0_i32_0 = arith.constant 0 : i32
    %c0_i32_1 = arith.constant 0 : i32
    return %c0_i32, %c0_i32_0 : i32, i32
  }
  func.func @transform_4(%arg0: i32) -> (i32, i32) {
    %c0_i32 = arith.constant 0 : i32
    %c0_i32_0 = arith.constant 0 : i32
    %c0_i32_1 = arith.constant 0 : i32
    return %c0_i32, %c0_i32_0 : i32, i32
  }
}

</mosaic_0001>

<sc_bundles>
// kernel: kernel.6.cloned.1.call-start
scs
__scs_entry_jumppad:
0x0: {  	(pc) =	sbr.rel $0x88, $3  }
0x1: {  	(tag) =	ssettag $0x0;
	lr =	simm.s32 $0x1  }
0x2: {  	[smem:$0x3F9C] =	sst lr;
	_ =	strace $0xD0000000  }
0x3: {  	_ = 	snop  }
0x4: {  	_ = 	snop  }
0x5: {  	_ = 	snop  }
0x6: {  	_ = 	snop  }
0x7: {  	_ = 	snop  }
__scs_overlays_trampoline_lowered:
0x8: {  	[smem:$0x3FAB] =	sst s0  }
0x9: {  	[smem:$0x3FAC] =	sst s1  }
0xa: {  	[smem:$0x3FAD] =	sst s2  }
0xb: {  	[smem:$0x3FAE] =	sst s3  }
0xc: {  	[smem:$0x3FAF] =	sst s4  }
0xd: {  	[smem:$0x3FB0] =	sst s5  }
0xe: {  	[smem:$0x3FB1] =	sst s6  }
0xf: {  	[smem:$0x3FB2] =	sst s7  }
0x10: {  	[smem:$0x3FB3] =	sst s8  }
0x11: {  	[smem:$0x3FB4] =	sst s9;
	s0 =	simm.s32 @!p0 $0x0  }
0x12: {  	s1 =	sld [smem:$0x3F9A];
	s0 =	simm.s32 @p0 $0x1  }
0x13: {  	[smem:$0x3FB5] =	sst s0;
	s0 =	simm.s32 @!p1 $0x0  }
0x14: {  	s2 =	sld [smem:$0x3F99];
	s0 =	simm.s32 @p1 $0x1  }
0x15: {  	[smem:$0x3FB6] =	sst s0;
	s0 =	simm.s32 @!p2 $0x0  }
0x16: {  	s3 =	sld [smem:$0x3FDB];
	s0 =	simm.s32 @p2 $0x1  }
0x17: {  	s4 =	simm.s32 $0x1BF5;
	[smem:$0x3FB8] =	sst s0  }
0x18: {  	s0 =	sld [smem:$0x3F9B];
	_ =	swait.ge [sflag:s4], $0x0  }
0x19: {  	s7 =	sld [smem:$0x3F9C]  }
0x1a: {  	s8 =	sadd.s32 $0xFFFFE003, lr  }
0x1b: {  	s9 =	sadd.s32 $0xFFFFFEF7, lr;
	s5 =	simm.s32 $0xFFFFFFFF;
	p2 =	slt.u32 s8, $0xFFFFF086  }
0x1c: {  	p1 =	slt.u32 s9, $0xF7A;
	s5 =	simm.s32 @!p2 $0x0  }
0x1d: {  	s5 =	simm.s32 @p1 $0x1;
	p0 =	seq.s32 s7, s2  }
0x1e: {  	s7 =	smul.u32 @!p0 $0xF7A, s2;
	p2 =	seq.s32 @!p0 s5, $0x0  }
0x1f: {  	s9 =	smul.u32 $0xF7A, s1;
	s8 =	simm.s32 @!p0 $0x1BF5;
	p2 =	por !p2, p0  }
0x20: {  	[sflag:s8] =	ssyncset.s32 @!p0 $0xFFFFF086;
	s6 =	sadd.s32 @!p0 s3, s7;
	s7 =	simm.s32 @!p0 $0x108  }
0x21: {  	s3 =	sadd.s32 s3, s9;
	s6 =	sadd.s32 @!p0 $0x88, s6;
	s7 =	simm.s32 @p2 $0x1082  }
0x22: {  	[simem:s7], [sflag:s8] =	dma.local @!p0 [hbm:s6], $0xF7A  }
0x23: {  	s9 =	sor.u32 $0xD0000000, s2;
	s6 =	simm.s32 $0x108;
	_ =	swait.ge @!p0 [sflag:s8], $0x0  }
0x24: {  	s3 =	sadd.s32 $0x88, s3;
	s6 =	simm.s32 @!p1 $0x1082;
	[sflag:s4] =	ssyncset.s32 $0xFFFFF086  }
0x25: {  	[simem:s6], [sflag:s4] =	dma.local [hbm:s3], $0xF7A  }
0x26: {  	[smem:$0x3F9C] =	sst s1;
	(tag) =	ssettag s2;
	_ =	strace s9  }
0x27: {  	s1 =	sld [smem:$0x3FAC]  }
0x28: {  	s2 =	sld [smem:$0x3FAD]  }
0x29: {  	s4 =	sld [smem:$0x3FAF]  }
0x2a: {  	p0 =	seq.s32 s5, $0x0;
	s5 =	sld [smem:$0x3FB0]  }
0x2b: {  	s6 =	sld [smem:$0x3FB1]  }
0x2c: {  	s7 =	sld [smem:$0x3FB2]  }
0x2d: {  	s3 =	simm.s32 $0x108;
	s8 =	sld [smem:$0x3FB3]  }
0x2e: {  	s3 =	simm.s32 @!p0 $0x1082;
	s9 =	sld [smem:$0x3FB4]  }
0x2f: {  	lr =	sadd.s32 s0, s3;
	s0 =	sld [smem:$0x3FAB]  }
0x30: {  	s3 =	sld [smem:$0x3FAE]  }
0x31: {  	[smem:$0x3FB7] =	sst s10  }
0x32: {  	s10 =	sld [smem:$0x3FB5];
	_ =	sdelay $0x3  }
0x33: {  	p0 =	seq.s32 s10, $0x1;
	s10 =	sld [smem:$0x3FB7];
	_ =	sdelay $0x3  }
0x34: {  	[smem:$0x3FB7] =	sst s10  }
0x35: {  	s10 =	sld [smem:$0x3FB6];
	_ =	sdelay $0x3  }
0x36: {  	p1 =	seq.s32 s10, $0x1;
	s10 =	sld [smem:$0x3FB7];
	_ =	sdelay $0x3  }
0x37: {  	[smem:$0x3FB7] =	sst s10  }
0x38: {  	s10 =	sld [smem:$0x3FB8]  }
0x39: {  	_ = 	snop;
	(pc) =	sbr.ind lr, $3  }
0x3a: {  	_ = 	snop  }
0x3b: {  	_ = 	snop  }
0x3c: {  	p2 =	seq.s32 s10, $0x1;
	s10 =	sld [smem:$0x3FB7]  }
0x3d: {  	_ =	shalt  }
0x3e: {  	_ =	shalt  }
0x3f: {  	_ =	shalt  }
0x40: {  	_ =	shalt  }
0x41: {  	_ =	shalt  }
0x42: {  	_ =	shalt  }
0x43: {  	_ =	shalt  }
0x44: {  	_ =	shalt  }
0x45: {  	_ =	shalt  }
0x46: {  	_ =	shalt  }
0x47: {  	_ =	shalt  }
0x48: {  	_ =	shalt  }
0x49: {  	_ =	shalt  }
0x4a: {  	_ =	shalt  }
0x4b: {  	_ =	shalt  }
0x4c: {  	_ =	shalt  }
0x4d: {  	_ =	shalt  }
0x4e: {  	_ =	shalt  }
0x4f: {  	_ =	shalt  }
0x50: {  	_ =	shalt  }
0x51: {  	_ =	shalt  }
0x52: {  	_ =	shalt  }
0x53: {  	_ =	shalt  }
0x54: {  	_ =	shalt  }
0x55: {  	_ =	shalt  }
0x56: {  	_ =	shalt  }
0x57: {  	_ =	shalt  }
0x58: {  	_ =	shalt  }
0x59: {  	_ =	shalt  }
0x5a: {  	_ =	shalt  }
0x5b: {  	_ =	shalt  }
0x5c: {  	_ =	shalt  }
0x5d: {  	_ =	shalt  }
0x5e: {  	_ =	shalt  }
0x5f: {  	_ =	shalt  }
0x60: {  	_ =	shalt  }
0x61: {  	_ =	shalt  }
0x62: {  	_ =	shalt  }
0x63: {  	_ =	shalt  }
0x64: {  	_ =	shalt  }
0x65: {  	_ =	shalt  }
0x66: {  	_ =	shalt  }
0x67: {  	_ =	shalt  }
0x68: {  	_ =	shalt  }
0x69: {  	_ =	shalt  }
0x6a: {  	_ =	shalt  }
0x6b: {  	_ =	shalt  }
0x6c: {  	_ =	shalt  }
0x6d: {  	_ =	shalt  }
0x6e: {  	_ =	shalt  }
0x6f: {  	_ =	shalt  }
0x70: {  	_ =	shalt  }
0x71: {  	_ =	shalt  }
0x72: {  	_ =	shalt  }
0x73: {  	_ =	shalt  }
0x74: {  	_ =	shalt  }
0x75: {  	_ =	shalt  }
0x76: {  	_ =	shalt  }
0x77: {  	_ =	shalt  }
0x78: {  	_ =	shalt  }
0x79: {  	_ =	shalt  }
0x7a: {  	_ =	shalt  }
0x7b: {  	_ =	shalt  }
0x7c: {  	_ =	shalt  }
0x7d: {  	_ =	shalt  }
0x7e: {  	_ =	shalt  }
0x7f: {  	_ =	shalt  }
0x80: {  	_ =	shalt  }
0x81: {  	_ =	shalt  }
0x82: {  	_ =	shalt  }
0x83: {  	_ =	shalt  }
0x84: {  	_ =	shalt  }
0x85: {  	_ =	shalt  }
0x86: {  	_ =	shalt  }
0x87: {  	_ =	shalt  }
.Lfunc_end0:
.L_simem_size_0:
called_computation_lowered:
.L_overlay_start_0:
0x88: {  	s2 =	sld [smem:$0x3FD9]  }
0x89: {  	s3 =	sld [smem:$0x3FFE];
	_ =	sdelay $0x1  }
0x8a: {  	s1 =	srdreg.scid  }
0x8b: {  	s0 =	sand.u32 $0x1, s1  }
0x8c: {  	s17 =	sshll.u32 s0, $0xA;
	s2 =	sadd.s32 s3, s2  }
0x8d: {  	s2 =	sadd.s32 s2, s17  }
0x8e: {  	[smem:$0x3FC3] =	sst s2  }
0x8f: {  	_ = 	snop  }
0x90: {  	s2 =	sld [smem:$0x3FC9]  }
0x91: {  	s18 =	sld [smem:$0x3FD0];
	(tm) =	ssettm $0x1  }
0x92: {  	s4 =	sld [smem:$0x3FFB];
	_ =	sdelay $0x3  }
0x93: {  	_ =	strace s4  }
0x94: {  	s4 =	sld [smem:$0x3FFC];
	_ =	sdelay $0x3  }
0x95: {  	_ =	strace s4  }
0x96: {  	s4 =	sld [smem:$0x3FFD];
	_ =	sdelay $0x3  }
0x97: {  	_ =	strace s4  }
0x98: {  	_ =	strace $0x8FFFFFFF  }
0x99: {  	s19 =	sld [smem:$0x3FDB];
	_ =	sdelay $0x1  }
0x9a: {  	s5 =	simm.s32 $_scs_section_size  }
0x9b: {  	s6 =	simm.s32 $_size__tile_overlayer_lowered;
	s7 =	simm.s32 $_tile_overlayer_lowered  }
0x9c: {  	s22 =	simm.s32 $0x1BFF;
	s21 =	sshll.u32 s7, $0x1;
	s4 =	sadd.s32 s5, s19  }
0x9d: {  	s8 =	simm.s32 $0x0;
	s20 =	sshll.u32 s6, $0x1;
	s6 =	sadd.s32 s21, s4  }
0x9e: {  	[timem:s8], [sflag:s22] =	dma.local [hbm:s6], s20  }
0x9f: {  	_ =	swait.ge [sflag:s22], s20  }
0xa0: {  	s5 =	ssub.s32 $0x0, s20;
	[sflag:s22] =	ssyncset.done $0x0  }
0xa1: {  	[sflag:s22] =	ssyncadd.s32 s5;
	_ =	sdelay $0x1  }
0xa2: {  	s23 =	simm.s32 $0x1B8B  }
0xa3: {  	_ =	swait.ge [sflag:s23], $0x1  }
0xa4: {  	[sflag:s23] =	ssyncset.done $0x0  }
0xa5: {  	s25 =	simm.s32 $0x1B8E;
	s24 =	sld [smem:$0x3FFE];
	[sflag:s23] =	ssyncadd.s32 $0xFFFFFFFF  }
0xa6: {  	s26 =	simm.s32 $execute0_lowered;
	[smem:$0x3FD2] =	sst s25  }
0xa7: {  	s6 =	sshll.u32 s26, $0x1;
	_ =	strace $0x80000046;
	[dreg:$0x1] =	wrdreg $0xFFFFFFFF  }
0xa8: {  	s28 =	simm.s32 $_size_execute0_lowered;
	s4 =	sadd.s32 s4, s6;
	[dreg:$0x0] =	wrdreg $0x0  }
0xa9: {  	s6 =	sshll.u32 s28, $0x1;
	[dreg:$0x2] =	wrdreg s4  }
0xaa: {  	[dreg:$0x3] =	wrdreg s6  }
0xab: {  	[dreg:$0x4] =	wrdreg $0xC0  }
0xac: {  	_ =	task [dreg:s8], $0x5FFFF  }
0xad: {  	[dreg:$0x1] =	wrdreg $0xFFFFFFFF  }
0xae: {  	[dreg:$0x0] =	wrdreg $0x60  }
0xaf: {  	[dreg:$0x2] =	wrdreg s2  }
0xb0: {  	[dreg:$0x3] =	wrdreg s18  }
0xb1: {  	[dreg:$0x4] =	wrdreg s24  }
0xb2: {  	[dreg:$0x5] =	wrdreg $0x9  }
0xb3: {  	_ =	task.clear_ibuf [dreg:s8], $0x6FFFF;
	_ =	strace $0x90000046  }
0xb4: {  	s29 =	simm.s32 $0x9;
	_ =	strace $0x80000048  }
0xb5: {  	_ =	swait.ge [sflag:s29], $0x1  }
0xb6: {  	[sflag:s29] =	ssyncadd.s32 $0xFFFFFFFF  }
0xb7: {  	_ =	strace $0x90000048  }
0xb8: {  	_ =	sfence  }
0xb9: {  	s30 =	sld [smem:$0x0];
	_ =	sdelay $0x2  }
0xba: {  	s31 =	sshll.u32 s1, $0xD;
	s1 =	sshrl.u32 s1, $0x2  }
0xbb: {  	s3 =	sand.u32 $0x4000, s31;
	s1 =	sadd.s32 s1, s30  }
0xbc: {  	s0 =	sor.u32 s3, s0;
	s1 =	sshll.u32 s1, $0x11  }
0xbd: {  	s0 =	sor.u32 s1, s0  }
0xbe: {  	s0 =	sadd.s32 $0x8F2B, s0  }
0xbf: {  	[sflag:s0] =	ssyncadd.remote.s32 $0x1  }
0xc0: {  	_ =	sfence.sel $0xFFFF  }
0xc1: {  	[dreg:$0x0] =	wrdreg $0xFFFFFFFF;
	(pc) =	sbr.abs _section_cstart, $3  }
0xc2: {  	[dreg:$0x1] =	wrdreg $0xFFFFFFFF  }
0xc3: {  	_ =	task.clear_ibuf [dreg:s8], $0x2FFFF;
	_ =	strace $0x9FFFFFFF  }
0xc4: {  	(tm) =	ssettm $0x7FFFFFFF  }
0xc5: {  	_ =	shalt  }
tec
execute0_lowered:
.L_overlay_start_1:
0x0: {  	(tag) =	ssettag $0x1  }
0x1: {  	s1 =	rddreg [dreg:$0x0]  }
0x2: {  	s2 =	srdreg.scid;
	s4 =	rddreg [dreg:$0x1]  }
0x3: {  	s0 =	stileid.u32;
	s6 =	rddreg [dreg:$0x2]  }
0x4: {  	s21 =	simm.s32 $0x80;
	s22 =	simm.s32 $0x100;
	s23 =	simm.s32 $0x180  }
0x5: {  	s24 =	simm.s32 $0xA00;
	s25 =	simm.s32 $0x1200;
	s26 =	simm.s32 $0x1A00  }
0x6: {  	s10 =	simm.s32 $0x1;
	s5 =	sand.u32 $0x1, s2;
	s2 =	simm.s32 $0x0  }
0x7: {  	s12 =	simm.s32 $0x2A00;
	s17 =	sadd.s32 $0x1E10, s6;
	[smem:$0x7FF] =	sst s2  }
0x8: {  	s13 =	simm.s32 $0x3200;
	_ =	strace $0x80000047;
	[dreg:$0x7] =	wrdreg s17  }
0x9: {  	s28 =	simm.s32 $0x9A00;
	s29 =	simm.s32 $0xA200;
	[dreg:$0xa] =	wrdreg s21  }
0xa: {  	s30 =	simm.s32 $0xAA00;
	s31 =	simm.s32 $0xB200;
	[dreg:$0xb] =	wrdreg s22  }
0xb: {  	s14 =	sshll.u32 s0, $0x4;
	s16 =	sadd.s32 $0x4A000, s6;
	[dreg:$0xc] =	wrdreg s23  }
0xc: {  	s3 =	sshll.u32 s5, $0x3;
	s5 =	ssub.s32 $0x2, s5;
	[dreg:$0xd] =	wrdreg s24  }
0xd: {  	s7 =	sor.u32 s3, s14;
	s19 =	sshrl.u32 s5, $0x1;
	[dreg:$0xe] =	wrdreg s25  }
0xe: {  	[dreg:$0xf] =	wrdreg s26;
	s14 =	simm.s32 $0x3A00;
	s17 =	simm.s32 $0x5200  }
0xf: {  	s21 =	simm.s32 $0x6A00;
	s22 =	simm.s32 $0x7200;
	s23 =	simm.s32 $0x7A00  }
0x10: {  	s24 =	simm.s32 $0x8200;
	s25 =	simm.s32 $0x8A00;
	s26 =	simm.s32 $0x9200  }
0x11: {  	s3 =	smul.u32 $0x300, s7;
	s8 =	sor.u32 $0x4, s7;
	s15 =	sadd.s32 s4, s7  }
0x12: {  	s18 =	sadd.s32 s16, s7;
	s7 =	ssub.s32 s5, s19;
	s4 =	sadd.s32 $0x2100, s6  }
0x13: {  	s5 =	sadd.s32 $0x2200, s6;
	s19 =	simm.s32 $0x2;
	[dreg:$0x6] =	wrdreg s15  }
0x14: {  	s9 =	smul.u32 $0x300, s8;
	[dreg:$0x8] =	wrdreg s18;
	s20 =	sadd.s32 s16, s8  }
0x15: {  	s8 =	simm.s32 $0x6200;
	s15 =	simm.s32 $0x4200;
	s16 =	simm.s32 $0x4A00  }
0x16: {  	s18 =	simm.s32 $0x5A00;
	s3 =	sadd.s32 s1, s3;
	[dreg:$0x9] =	wrdreg s20  }
0x17: {  	v2 =	vlaneseq.u32;
	s20 =	simm.s32 $0x3;
	[dreg:$0x4] =	wrdreg s3;
	s1 =	sadd.s32 s1, s9  }
0x18: {  	vm0 =	vmmov $0xffff;
	v1 =	vshrl.u32 v2, $0x3;
	s3 =	sadd.s32 $0x2000, s6;
	s6 =	smax.u32 s7, $0x1;
	s7 =	simm.s32 $0x200  }
0x19: {  	v0 =	vand.u32 $0x7, v2;
	v2 =	vor.u32 $0x8, v2;
	v1 =	vmul.u32 $0x8, v1;
	s9 =	simm.s32 $0x4;
	[dreg:$0x5] =	wrdreg s1;
	s1 =	simm.s32 $0xBA00  }
.LBB2_1:
0x1a: {  	s0 =	rddreg [dreg:$0x4]  }
0x1b: {  	[tilespmem:s7], [sflag:$0x1] =	stream.linear.gather [hbm4b:s0+s2], $0x6000, $0x38;
	[tilespmem:$0xC200] =	vst v63  }
0x1c: {  	s11 =	rddreg [dreg:$0x5]  }
0x1d: {  	[tilespmem:s8], [sflag:$0x2] =	stream.linear.gather [hbm4b:s11+s2], $0x6000, $0x38;
	[tilespmem:$0xC200] =	vst v63  }
0x1e: {  	s0 =	rddreg [dreg:$0x6]  }
0x1f: {  	[tilespmem:s2], [sflag:$0x4] =	stream.linear.gather [hbm4b:s0+s2], $0x40, $0x38;
	[tilespmem:$0xC200] =	vst v63  }
0x20: {  	_ =	swait.ge [sflag:s9], $0x40  }
0x21: {  	s0 =	rddreg [dreg:$0x7];
	[sflag:s9] =	ssyncset.done $0x0  }
0x22: {  	s11 =	rddreg [dreg:$0xa];
	[sflag:s9] =	ssyncadd.s32 $0xFFFFFFC0  }
0x23: {  	[tilespmem:s11], [sflag:$0x4] =	stream.linear.gather [hbm4b:s0+s2], $0x80, $0x38;
	[tilespmem:$0xC200] =	vst v63  }
0x24: {  	_ =	swait.ge [sflag:s9], $0x80  }
0x25: {  	[sflag:s9] =	ssyncset.done $0x0  }
0x26: {  	[sflag:s9] =	ssyncadd.s32 $0xFFFFFF80  }
0x27: {  	v4 =	vld [tilespmem:$0xE0]  }
0x28: {  	v5 =	vld [tilespmem:$0x0]  }
0x29: {  	v6 =	vld [tilespmem:$0xF0]  }
0x2a: {  	v7 =	vld [tilespmem:$0x10]  }
0x2b: {  	v9 =	vld [tilespmem:$0x20]  }
0x2c: {  	v11 =	vld [tilespmem:$0x30]  }
0x2d: {  	v8 =	vld [tilespmem:$0xD0]  }
0x2e: {  	v3 =	vld [tilespmem:$0xC0]  }
0x2f: {  	v10 =	vshrl.u32 v5, $0xC  }
0x30: {  	v13 =	vshrl.u32 v7, $0xC;
	v15 =	vshrl.u32 v9, $0xC;
	vm1 =	veq.s32 v10, $0x6  }
0x31: {  	v16 =	vshrl.u32 v11, $0xC;
	v12 =	vsel vm1, v4, v6;
	vm1 =	veq.s32 v10, $0x5  }
0x32: {  	vm2 =	veq.s32 v13, $0x6;
	v12 =	vsel vm1, v8, v12;
	vm1 =	veq.s32 v10, $0x4  }
0x33: {  	v14 =	vsel vm2, v4, v6;
	v12 =	vsel vm1, v3, v12;
	vm1 =	veq.s32 v13, $0x5  }
0x34: {  	v17 =	vld [tilespmem:$0xB0];
	vm2 =	veq.s32 v16, $0x6;
	v14 =	vsel vm1, v8, v14;
	vm1 =	veq.s32 v15, $0x6  }
0x35: {  	v18 =	vld [tilespmem:$0xA0];
	v19 =	vsel vm1, v4, v6;
	vm1 =	veq.s32 v13, $0x4;
	v4 =	vsel vm2, v4, v6  }
0x36: {  	v51 =	vld [tilespmem:$0x90];
	vm2 =	veq.s32 v16, $0x5;
	v14 =	vsel vm1, v3, v14;
	vm1 =	veq.s32 v15, $0x5  }
0x37: {  	v4 =	vsel vm2, v8, v4;
	v19 =	vsel vm1, v8, v19;
	vm1 =	veq.s32 v15, $0x4  }
0x38: {  	vm2 =	veq.s32 v10, $0x3;
	v19 =	vsel vm1, v3, v19;
	vm1 =	veq.s32 v16, $0x4  }
0x39: {  	v53 =	vsel vm2, v17, v12;
	v3 =	vsel vm1, v3, v4;
	vm1 =	veq.s32 v10, $0x2  }
0x3a: {  	vm2 =	veq.s32 v13, $0x3;
	v4 =	vsel vm1, v18, v53;
	vm1 =	veq.s32 v10, $0x1  }
0x3b: {  	v52 =	vld [tilespmem:$0x80];
	v54 =	vsel vm2, v17, v14;
	v4 =	vsel vm1, v51, v4;
	vm1 =	veq.s32 v13, $0x2  }
0x3c: {  	v5 =	vand.u32 $0xFFF, v5;
	v55 =	vsel vm1, v18, v54;
	vm1 =	veq.s32 v13, $0x1  }
0x3d: {  	vm2 =	veq.s32 v10, $0x0;
	v10 =	vsel vm1, v51, v55;
	vm1 =	veq.s32 v15, $0x3  }
0x3e: {  	v7 =	vand.u32 $0xFFF, v7;
	v56 =	vsel vm1, v17, v19;
	vm1 =	veq.s32 v16, $0x3  }
0x3f: {  	v58 =	vand.u32 $0xFFF, v9;
	v3 =	vsel vm1, v17, v3;
	vm1 =	veq.s32 v15, $0x2  }
0x40: {  	v4 =	vsel vm2, v52, v4;
	v12 =	vsel vm1, v18, v56;
	vm1 =	veq.s32 v15, $0x1  }
0x41: {  	vm2 =	veq.s32 v13, $0x0;
	v57 =	vsel vm1, v51, v12;
	vm1 =	veq.s32 v15, $0x0  }
0x42: {  	v4 =	vadd.s32 v5, v4;
	v5 =	vsel vm1, v52, v57;
	vm1 =	veq.s32 v16, $0x2  }
0x43: {  	v10 =	vsel vm2, v52, v10;
	v3 =	vsel vm1, v18, v3;
	vm1 =	veq.s32 v16, $0x1  }
0x44: {  	[tilespmem:$0x100] =	vst v4;
	v7 =	vadd.s32 v7, v10;
	v3 =	vsel vm1, v51, v3;
	vm1 =	veq.s32 v16, $0x0  }
0x45: {  	v59 =	vand.u32 $0xFFF, v11;
	[tilespmem:$0x110] =	vst v7;
	v4 =	vadd.s32 v58, v5;
	v3 =	vsel vm1, v52, v3  }
0x46: {  	s0 =	rddreg [dreg:$0x8];
	[tilespmem:$0x180] =	vst v4;
	v3 =	vadd.s32 v59, v3  }
0x47: {  	s11 =	rddreg [dreg:$0xb];
	[tilespmem:$0x190] =	vst v3  }
0x48: {  	[hbm4b:s0+s2] =	stream.linear.scatter [tilespmem:s11], [sflag:$0x4], $0x20, $0x38;
	[tilespmem:$0xC200] =	vst v63  }
0x49: {  	_ =	swait.ge [sflag:s9], $0x20  }
0x4a: {  	s0 =	rddreg [dreg:$0x9];
	[sflag:s9] =	ssyncset.done $0x0  }
0x4b: {  	s11 =	rddreg [dreg:$0xc];
	[sflag:s9] =	ssyncadd.s32 $0xFFFFFFE0  }
0x4c: {  	[hbm4b:s0+s2] =	stream.linear.scatter [tilespmem:s11], [sflag:$0x4], $0x20, $0x38;
	[tilespmem:$0xC200] =	vst v63  }
0x4d: {  	_ =	swait.ge [sflag:s9], $0x20  }
0x4e: {  	[sflag:s9] =	ssyncset.done $0x0  }
0x4f: {  	[sflag:s9] =	ssyncadd.s32 $0xFFFFFFE0  }
0x50: {  	_ =	swait.ge [sflag:s10], $0x6000  }
0x51: {  	[sflag:s10] =	ssyncset.done $0x0  }
0x52: {  	[sflag:s10] =	ssyncadd.s32 $0xFFFFA000  }
0x53: {  	v3 =	vld [tilespmem:$0x100];
	_ =	sdelay $0x4  }
0x54: {  	v60 =	vshrl.u32 v3, $0x3  }
0x55: {  	v4 =	vmul.u32 $0x30, v60  }
0x56: {  	v3 =	vand.u32 $0x7, v3  }
0x57: {  	v3 =	vor.u32 v3, v4  }
0x58: {  	v4 =	vperm.xlane v3, v0;
	_ =	sdelay $0x1  }
0x59: {  	v4 =	vadd.s32 v1, v4;
	_ =	sdelay $0x3  }
0x5a: {  	v3 =	vperm.xlane v3, v2  }
0x5b: {  	[hbm4b:s3+s2] =	stream.indirect_vreg.scatter [tilespmem:s7], [sflag:$0x3], $0x80, v4, vm0, $0xb8;
	[tilespmem:$0xC200] =	vst v63  }
0x5c: {  	s0 =	rddreg [dreg:$0xd];
	v3 =	vadd.s32 v1, v3  }
0x5d: {  	[hbm4b:s4+s2] =	stream.indirect_vreg.scatter [tilespmem:s0], [sflag:$0x3], $0x80, v4, vm0, $0xb8;
	[tilespmem:$0xC200] =	vst v63  }
0x5e: {  	s11 =	rddreg [dreg:$0xe]  }
0x5f: {  	[hbm4b:s5+s2] =	stream.indirect_vreg.scatter [tilespmem:s11], [sflag:$0x3], $0x80, v4, vm0, $0xb8;
	[tilespmem:$0xC200] =	vst v63  }
0x60: {  	s0 =	rddreg [dreg:$0xf]  }
0x61: {  	[hbm4b:s3+s2] =	stream.indirect_vreg.scatter [tilespmem:s0], [sflag:$0x3], $0x80, v3, vm0, $0xb8;
	[tilespmem:$0xC200] =	vst v63  }
0x62: {  	s11 =	simm.s32 $0x2200  }
0x63: {  	[hbm4b:s4+s2] =	stream.indirect_vreg.scatter [tilespmem:s11], [sflag:$0x3], $0x80, v3, vm0, $0xb8;
	[tilespmem:$0xC200] =	vst v63  }
0x64: {  	_ = 	snop  }
0x65: {  	[hbm4b:s5+s2] =	stream.indirect_vreg.scatter [tilespmem:s12], [sflag:$0x3], $0x80, v3, vm0, $0xb8;
	[tilespmem:$0xC200] =	vst v63  }
0x66: {  	v3 =	vld [tilespmem:$0x110];
	_ =	sdelay $0x4  }
0x67: {  	v61 =	vshrl.u32 v3, $0x3  }
0x68: {  	v4 =	vmul.u32 $0x30, v61  }
0x69: {  	v3 =	vand.u32 $0x7, v3  }
0x6a: {  	v3 =	vor.u32 v3, v4  }
0x6b: {  	v4 =	vperm.xlane v3, v0;
	_ =	sdelay $0x1  }
0x6c: {  	v4 =	vadd.s32 v1, v4;
	_ =	sdelay $0x3  }
0x6d: {  	v3 =	vperm.xlane v3, v2  }
0x6e: {  	[hbm4b:s3+s2] =	stream.indirect_vreg.scatter [tilespmem:s13], [sflag:$0x3], $0x80, v4, vm0, $0xb8;
	[tilespmem:$0xC200] =	vst v63  }
0x6f: {  	v3 =	vadd.s32 v1, v3  }
0x70: {  	[hbm4b:s4+s2] =	stream.indirect_vreg.scatter [tilespmem:s14], [sflag:$0x3], $0x80, v4, vm0, $0xb8;
	[tilespmem:$0xC200] =	vst v63  }
0x71: {  	_ = 	snop  }
0x72: {  	[hbm4b:s5+s2] =	stream.indirect_vreg.scatter [tilespmem:s15], [sflag:$0x3], $0x80, v4, vm0, $0xb8;
	[tilespmem:$0xC200] =	vst v63  }
0x73: {  	_ = 	snop  }
0x74: {  	[hbm4b:s3+s2] =	stream.indirect_vreg.scatter [tilespmem:s16], [sflag:$0x3], $0x80, v3, vm0, $0xb8;
	[tilespmem:$0xC200] =	vst v63  }
0x75: {  	_ = 	snop  }
0x76: {  	[hbm4b:s4+s2] =	stream.indirect_vreg.scatter [tilespmem:s17], [sflag:$0x3], $0x80, v3, vm0, $0xb8;
	[tilespmem:$0xC200] =	vst v63  }
0x77: {  	_ = 	snop  }
0x78: {  	[hbm4b:s5+s2] =	stream.indirect_vreg.scatter [tilespmem:s18], [sflag:$0x3], $0x80, v3, vm0, $0xb8;
	[tilespmem:$0xC200] =	vst v63  }
0x79: {  	_ =	swait.ge [sflag:s19], $0x6000  }
0x7a: {  	[sflag:s19] =	ssyncset.done $0x0  }
0x7b: {  	[sflag:s19] =	ssyncadd.s32 $0xFFFFA000  }
0x7c: {  	_ =	swait.ge [sflag:s20], $0x6000  }
0x7d: {  	[sflag:s20] =	ssyncset.done $0x0  }
0x7e: {  	[sflag:s20] =	ssyncadd.s32 $0xFFFFA000  }
0x7f: {  	v3 =	vld [tilespmem:$0x180];
	_ =	sdelay $0x4  }
0x80: {  	v62 =	vshrl.u32 v3, $0x3  }
0x81: {  	v4 =	vmul.u32 $0x30, v62  }
0x82: {  	v3 =	vand.u32 $0x7, v3  }
0x83: {  	v3 =	vor.u32 v3, v4  }
0x84: {  	v4 =	vperm.xlane v3, v0;
	_ =	sdelay $0x1  }
0x85: {  	v4 =	vadd.s32 v1, v4;
	_ =	sdelay $0x3  }
0x86: {  	v3 =	vperm.xlane v3, v2  }
0x87: {  	[hbm4b:s3+s2] =	stream.indirect_vreg.scatter [tilespmem:s8], [sflag:$0x3], $0x80, v4, vm0, $0xb8;
	[tilespmem:$0xC200] =	vst v63  }
0x88: {  	v3 =	vadd.s32 v1, v3  }
0x89: {  	[hbm4b:s4+s2] =	stream.indirect_vreg.scatter [tilespmem:s21], [sflag:$0x3], $0x80, v4, vm0, $0xb8;
	[tilespmem:$0xC200] =	vst v63  }
0x8a: {  	_ = 	snop  }
0x8b: {  	[hbm4b:s5+s2] =	stream.indirect_vreg.scatter [tilespmem:s22], [sflag:$0x3], $0x80, v4, vm0, $0xb8;
	[tilespmem:$0xC200] =	vst v63  }
0x8c: {  	_ = 	snop  }
0x8d: {  	[hbm4b:s3+s2] =	stream.indirect_vreg.scatter [tilespmem:s23], [sflag:$0x3], $0x80, v3, vm0, $0xb8;
	[tilespmem:$0xC200] =	vst v63  }
0x8e: {  	_ = 	snop  }
0x8f: {  	[hbm4b:s4+s2] =	stream.indirect_vreg.scatter [tilespmem:s24], [sflag:$0x3], $0x80, v3, vm0, $0xb8;
	[tilespmem:$0xC200] =	vst v63  }
0x90: {  	_ = 	snop  }
0x91: {  	[hbm4b:s5+s2] =	stream.indirect_vreg.scatter [tilespmem:s25], [sflag:$0x3], $0x80, v3, vm0, $0xb8;
	[tilespmem:$0xC200] =	vst v63  }
0x92: {  	v3 =	vld [tilespmem:$0x190];
	_ =	sdelay $0x4  }
0x93: {  	v63 =	vshrl.u32 v3, $0x3  }
0x94: {  	v4 =	vmul.u32 $0x30, v63  }
0x95: {  	v3 =	vand.u32 $0x7, v3  }
0x96: {  	v3 =	vor.u32 v3, v4  }
0x97: {  	v4 =	vperm.xlane v3, v0;
	_ =	sdelay $0x1  }
0x98: {  	v4 =	vadd.s32 v1, v4;
	_ =	sdelay $0x3  }
0x99: {  	v3 =	vperm.xlane v3, v2  }
0x9a: {  	[hbm4b:s3+s2] =	stream.indirect_vreg.scatter [tilespmem:s26], [sflag:$0x3], $0x80, v4, vm0, $0xb8;
	[tilespmem:$0xC200] =	vst v63  }
0x9b: {  	v3 =	vadd.s32 v1, v3  }
0x9c: {  	[hbm4b:s4+s2] =	stream.indirect_vreg.scatter [tilespmem:s28], [sflag:$0x3], $0x80, v4, vm0, $0xb8;
	[tilespmem:$0xC200] =	vst v63  }
0x9d: {  	_ = 	snop  }
0x9e: {  	[hbm4b:s5+s2] =	stream.indirect_vreg.scatter [tilespmem:s29], [sflag:$0x3], $0x80, v4, vm0, $0xb8;
	[tilespmem:$0xC200] =	vst v63  }
0x9f: {  	_ = 	snop  }
0xa0: {  	[hbm4b:s3+s2] =	stream.indirect_vreg.scatter [tilespmem:s30], [sflag:$0x3], $0x80, v3, vm0, $0xb8;
	[tilespmem:$0xC200] =	vst v63  }
0xa1: {  	p0 =	sne.s32 s6, $0x1  }
0xa2: {  	[hbm4b:s4+s2] =	stream.indirect_vreg.scatter [tilespmem:s31], [sflag:$0x3], $0x80, v3, vm0, $0xb8;
	[tilespmem:$0xC200] =	vst v63  }
.Ltmp0:
0xa3: {  	_ = 	snop;
	(pc) =	sbr.rel @p0 .LBB2_1-.Ltmp0, $4  }
0xa4: {  	[hbm4b:s5+s2] =	stream.indirect_vreg.scatter [tilespmem:s1], [sflag:$0x3], $0x80, v3, vm0, $0xb8;
	[tilespmem:$0xC200] =	vst v63  }
0xa5: {  	_ =	swait.ge [sflag:s20], $0x6000  }
0xa6: {  	[sflag:s20] =	ssyncset.done $0x0  }
0xa7: {  	s6 =	sadd.s32 $0xFFFFFFFF, s6;
	[sflag:s20] =	ssyncadd.s32 $0xFFFFA000  }
0xa8: {  	_ =	sfence.sel $0x180000  }
0xa9: {  	[bflag:$0x0] =	sbarrier.arrive $0xFFFF  }
0xaa: {  	_ =	strace $0x90000047  }
0xab: {  	s0 =	stileid.u32;
	[bflag:$0x2] =	sbarrier.arrive $0xFFFF  }
0xac: {  	p0 =	sne.s32 s0, $0x0;
	s0 =	rddreg [dreg:$0x3]  }
0xad: {  	s0 =	sadd.s32 @!p0 $0x100000, s0  }
0xae: {  	[sflag:s0] =	ssyncadd.tile.s32 @!p0 $0x1;
	_ =	shalt  }
.Lfunc_end2:
_tile_overlayer_lowered:
.L_overlay_start_2:
0xaf: {  	(tag) =	ssettag $0x2  }
0xb0: {  	s0 =	rddreg [dreg:$0x0];
	s2 =	stileid.u32  }
0xb1: {  	s1 =	rddreg [dreg:$0x1];
	p0 =	sne.s32 s2, $0x0  }
0xb2: {  	s3 =	rddreg [dreg:$0x2];
	[bflag:$0x3] =	sbarrier.arrive $0xFFFF;
	s2 =	simm.s32 @!p0 $0x1C04  }
0xb3: {  	[timem:s3], [sflag:s2] =	dma.local @!p0 [hbm:s0], s1  }
0xb4: {  	s0 =	simm.s32 @!p0 $0x4  }
0xb5: {  	_ =	swait.ge @!p0 [sflag:s0], s1  }
0xb6: {  	s1 =	ssub.s32 @!p0 $0x0, s1;
	[sflag:s0] =	ssyncset.done @!p0 $0x0  }
0xb7: {  	[sflag:s0] =	ssyncadd.s32 @!p0 s1  }
0xb8: {  	[bflag:$0x3] =	sbarrier.arrive $0xFFFF  }
0xb9: {  	_ =	shalt  }

// kernel: kernel.9.cloned.1.call-start
scs
__scs_entry_jumppad:
0x0: {  	(pc) =	sbr.rel $0x88, $3  }
0x1: {  	(tag) =	ssettag $0x0;
	lr =	simm.s32 $0x1  }
0x2: {  	[smem:$0x3F9C] =	sst lr;
	_ =	strace $0xD0000000  }
0x3: {  	_ = 	snop  }
0x4: {  	_ = 	snop  }
0x5: {  	_ = 	snop  }
0x6: {  	_ = 	snop  }
0x7: {  	_ = 	snop  }
__scs_overlays_trampoline_lowered:
0x8: {  	[smem:$0x3FAB] =	sst s0  }
0x9: {  	[smem:$0x3FAC] =	sst s1  }
0xa: {  	[smem:$0x3FAD] =	sst s2  }
0xb: {  	[smem:$0x3FAE] =	sst s3  }
0xc: {  	[smem:$0x3FAF] =	sst s4  }
0xd: {  	[smem:$0x3FB0] =	sst s5  }
0xe: {  	[smem:$0x3FB1] =	sst s6  }
0xf: {  	[smem:$0x3FB2] =	sst s7  }
0x10: {  	[smem:$0x3FB3] =	sst s8  }
0x11: {  	[smem:$0x3FB4] =	sst s9;
	s0 =	simm.s32 @!p0 $0x0  }
0x12: {  	s1 =	sld [smem:$0x3F9A];
	s0 =	simm.s32 @p0 $0x1  }
0x13: {  	[smem:$0x3FB5] =	sst s0;
	s0 =	simm.s32 @!p1 $0x0  }
0x14: {  	s2 =	sld [smem:$0x3F99];
	s0 =	simm.s32 @p1 $0x1  }
0x15: {  	[smem:$0x3FB6] =	sst s0;
	s0 =	simm.s32 @!p2 $0x0  }
0x16: {  	s3 =	sld [smem:$0x3FDB];
	s0 =	simm.s32 @p2 $0x1  }
0x17: {  	s4 =	simm.s32 $0x1BF5;
	[smem:$0x3FB8] =	sst s0  }
0x18: {  	s0 =	sld [smem:$0x3F9B];
	_ =	swait.ge [sflag:s4], $0x0  }
0x19: {  	s7 =	sld [smem:$0x3F9C]  }
0x1a: {  	s8 =	sadd.s32 $0xFFFFE003, lr  }
0x1b: {  	s9 =	sadd.s32 $0xFFFFFEF7, lr;
	s5 =	simm.s32 $0xFFFFFFFF;
	p2 =	slt.u32 s8, $0xFFFFF086  }
0x1c: {  	p1 =	slt.u32 s9, $0xF7A;
	s5 =	simm.s32 @!p2 $0x0  }
0x1d: {  	s5 =	simm.s32 @p1 $0x1;
	p0 =	seq.s32 s7, s2  }
0x1e: {  	s7 =	smul.u32 @!p0 $0xF7A, s2;
	p2 =	seq.s32 @!p0 s5, $0x0  }
0x1f: {  	s9 =	smul.u32 $0xF7A, s1;
	s8 =	simm.s32 @!p0 $0x1BF5;
	p2 =	por !p2, p0  }
0x20: {  	[sflag:s8] =	ssyncset.s32 @!p0 $0xFFFFF086;
	s6 =	sadd.s32 @!p0 s3, s7;
	s7 =	simm.s32 @!p0 $0x108  }
0x21: {  	s3 =	sadd.s32 s3, s9;
	s6 =	sadd.s32 @!p0 $0x88, s6;
	s7 =	simm.s32 @p2 $0x1082  }
0x22: {  	[simem:s7], [sflag:s8] =	dma.local @!p0 [hbm:s6], $0xF7A  }
0x23: {  	s9 =	sor.u32 $0xD0000000, s2;
	s6 =	simm.s32 $0x108;
	_ =	swait.ge @!p0 [sflag:s8], $0x0  }
0x24: {  	s3 =	sadd.s32 $0x88, s3;
	s6 =	simm.s32 @!p1 $0x1082;
	[sflag:s4] =	ssyncset.s32 $0xFFFFF086  }
0x25: {  	[simem:s6], [sflag:s4] =	dma.local [hbm:s3], $0xF7A  }
0x26: {  	[smem:$0x3F9C] =	sst s1;
	(tag) =	ssettag s2;
	_ =	strace s9  }
0x27: {  	s1 =	sld [smem:$0x3FAC]  }
0x28: {  	s2 =	sld [smem:$0x3FAD]  }
0x29: {  	s4 =	sld [smem:$0x3FAF]  }
0x2a: {  	p0 =	seq.s32 s5, $0x0;
	s5 =	sld [smem:$0x3FB0]  }
0x2b: {  	s6 =	sld [smem:$0x3FB1]  }
0x2c: {  	s7 =	sld [smem:$0x3FB2]  }
0x2d: {  	s3 =	simm.s32 $0x108;
	s8 =	sld [smem:$0x3FB3]  }
0x2e: {  	s3 =	simm.s32 @!p0 $0x1082;
	s9 =	sld [smem:$0x3FB4]  }
0x2f: {  	lr =	sadd.s32 s0, s3;
	s0 =	sld [smem:$0x3FAB]  }
0x30: {  	s3 =	sld [smem:$0x3FAE]  }
0x31: {  	[smem:$0x3FB7] =	sst s10  }
0x32: {  	s10 =	sld [smem:$0x3FB5];
	_ =	sdelay $0x3  }
0x33: {  	p0 =	seq.s32 s10, $0x1;
	s10 =	sld [smem:$0x3FB7];
	_ =	sdelay $0x3  }
0x34: {  	[smem:$0x3FB7] =	sst s10  }
0x35: {  	s10 =	sld [smem:$0x3FB6];
	_ =	sdelay $0x3  }
0x36: {  	p1 =	seq.s32 s10, $0x1;
	s10 =	sld [smem:$0x3FB7];
	_ =	sdelay $0x3  }
0x37: {  	[smem:$0x3FB7] =	sst s10  }
0x38: {  	s10 =	sld [smem:$0x3FB8]  }
0x39: {  	_ = 	snop;
	(pc) =	sbr.ind lr, $3  }
0x3a: {  	_ = 	snop  }
0x3b: {  	_ = 	snop  }
0x3c: {  	p2 =	seq.s32 s10, $0x1;
	s10 =	sld [smem:$0x3FB7]  }
0x3d: {  	_ =	shalt  }
0x3e: {  	_ =	shalt  }
0x3f: {  	_ =	shalt  }
0x40: {  	_ =	shalt  }
0x41: {  	_ =	shalt  }
0x42: {  	_ =	shalt  }
0x43: {  	_ =	shalt  }
0x44: {  	_ =	shalt  }
0x45: {  	_ =	shalt  }
0x46: {  	_ =	shalt  }
0x47: {  	_ =	shalt  }
0x48: {  	_ =	shalt  }
0x49: {  	_ =	shalt  }
0x4a: {  	_ =	shalt  }
0x4b: {  	_ =	shalt  }
0x4c: {  	_ =	shalt  }
0x4d: {  	_ =	shalt  }
0x4e: {  	_ =	shalt  }
0x4f: {  	_ =	shalt  }
0x50: {  	_ =	shalt  }
0x51: {  	_ =	shalt  }
0x52: {  	_ =	shalt  }
0x53: {  	_ =	shalt  }
0x54: {  	_ =	shalt  }
0x55: {  	_ =	shalt  }
0x56: {  	_ =	shalt  }
0x57: {  	_ =	shalt  }
0x58: {  	_ =	shalt  }
0x59: {  	_ =	shalt  }
0x5a: {  	_ =	shalt  }
0x5b: {  	_ =	shalt  }
0x5c: {  	_ =	shalt  }
0x5d: {  	_ =	shalt  }
0x5e: {  	_ =	shalt  }
0x5f: {  	_ =	shalt  }
0x60: {  	_ =	shalt  }
0x61: {  	_ =	shalt  }
0x62: {  	_ =	shalt  }
0x63: {  	_ =	shalt  }
0x64: {  	_ =	shalt  }
0x65: {  	_ =	shalt  }
0x66: {  	_ =	shalt  }
0x67: {  	_ =	shalt  }
0x68: {  	_ =	shalt  }
0x69: {  	_ =	shalt  }
0x6a: {  	_ =	shalt  }
0x6b: {  	_ =	shalt  }
0x6c: {  	_ =	shalt  }
0x6d: {  	_ =	shalt  }
0x6e: {  	_ =	shalt  }
0x6f: {  	_ =	shalt  }
0x70: {  	_ =	shalt  }
0x71: {  	_ =	shalt  }
0x72: {  	_ =	shalt  }
0x73: {  	_ =	shalt  }
0x74: {  	_ =	shalt  }
0x75: {  	_ =	shalt  }
0x76: {  	_ =	shalt  }
0x77: {  	_ =	shalt  }
0x78: {  	_ =	shalt  }
0x79: {  	_ =	shalt  }
0x7a: {  	_ =	shalt  }
0x7b: {  	_ =	shalt  }
0x7c: {  	_ =	shalt  }
0x7d: {  	_ =	shalt  }
0x7e: {  	_ =	shalt  }
0x7f: {  	_ =	shalt  }
0x80: {  	_ =	shalt  }
0x81: {  	_ =	shalt  }
0x82: {  	_ =	shalt  }
0x83: {  	_ =	shalt  }
0x84: {  	_ =	shalt  }
0x85: {  	_ =	shalt  }
0x86: {  	_ =	shalt  }
0x87: {  	_ =	shalt  }
.Lfunc_end0:
.L_simem_size_0:
called_computation.1_lowered:
.L_overlay_start_0:
0x88: {  	s2 =	sld [smem:$0x3FD9]  }
0x89: {  	s3 =	sld [smem:$0x3FFE];
	_ =	sdelay $0x1  }
0x8a: {  	s1 =	srdreg.scid  }
0x8b: {  	s0 =	sand.u32 $0x1, s1  }
0x8c: {  	s17 =	sshll.u32 s0, $0xA;
	s2 =	sadd.s32 s3, s2  }
0x8d: {  	s2 =	sadd.s32 s2, s17  }
0x8e: {  	[smem:$0x3FC3] =	sst s2  }
0x8f: {  	_ = 	snop  }
0x90: {  	s2 =	sld [smem:$0x3FD0];
	(tm) =	ssettm $0x1  }
0x91: {  	s18 =	sld [smem:$0x3FFB];
	_ =	sdelay $0x3  }
0x92: {  	_ =	strace s18  }
0x93: {  	s3 =	sld [smem:$0x3FFC];
	_ =	sdelay $0x3  }
0x94: {  	_ =	strace s3  }
0x95: {  	s3 =	sld [smem:$0x3FFD];
	_ =	sdelay $0x3  }
0x96: {  	_ =	strace s3  }
0x97: {  	_ =	strace $0x8FFFFFFF  }
0x98: {  	s19 =	sld [smem:$0x3FDB];
	_ =	sdelay $0x1  }
0x99: {  	s4 =	simm.s32 $_scs_section_size  }
0x9a: {  	s5 =	simm.s32 $_size__tile_overlayer_lowered;
	s6 =	simm.s32 $_tile_overlayer_lowered  }
0x9b: {  	s22 =	simm.s32 $0x1BFF;
	s21 =	sshll.u32 s6, $0x1;
	s3 =	sadd.s32 s4, s19  }
0x9c: {  	s7 =	simm.s32 $0x0;
	s20 =	sshll.u32 s5, $0x1;
	s5 =	sadd.s32 s21, s3  }
0x9d: {  	[timem:s7], [sflag:s22] =	dma.local [hbm:s5], s20  }
0x9e: {  	_ =	swait.ge [sflag:s22], s20  }
0x9f: {  	s4 =	ssub.s32 $0x0, s20;
	[sflag:s22] =	ssyncset.done $0x0  }
0xa0: {  	[sflag:s22] =	ssyncadd.s32 s4;
	_ =	sdelay $0x1  }
0xa1: {  	s23 =	simm.s32 $0x1B8B  }
0xa2: {  	_ =	swait.ge [sflag:s23], $0x1  }
0xa3: {  	[sflag:s23] =	ssyncset.done $0x0  }
0xa4: {  	s25 =	simm.s32 $0x1B8E;
	s24 =	sld [smem:$0x3FFE];
	[sflag:s23] =	ssyncadd.s32 $0xFFFFFFFF  }
0xa5: {  	s26 =	simm.s32 $execute0_lowered;
	[smem:$0x3FD2] =	sst s25  }
0xa6: {  	s5 =	sshll.u32 s26, $0x1;
	_ =	strace $0x80000049;
	[dreg:$0x1] =	wrdreg $0xFFFFFFFF  }
0xa7: {  	s28 =	simm.s32 $_size_execute0_lowered;
	s3 =	sadd.s32 s3, s5;
	[dreg:$0x0] =	wrdreg $0x0  }
0xa8: {  	s5 =	sshll.u32 s28, $0x1;
	[dreg:$0x2] =	wrdreg s3  }
0xa9: {  	[dreg:$0x3] =	wrdreg s5  }
0xaa: {  	[dreg:$0x4] =	wrdreg $0xC0  }
0xab: {  	_ =	task [dreg:s7], $0x5FFFF  }
0xac: {  	[dreg:$0x1] =	wrdreg $0xFFFFFFFF  }
0xad: {  	[dreg:$0x0] =	wrdreg $0x60  }
0xae: {  	[dreg:$0x2] =	wrdreg s24  }
0xaf: {  	[dreg:$0x3] =	wrdreg s2  }
0xb0: {  	[dreg:$0x4] =	wrdreg $0x9  }
0xb1: {  	_ =	task.clear_ibuf [dreg:s7], $0x5FFFF;
	_ =	strace $0x90000049  }
0xb2: {  	s29 =	simm.s32 $0x9;
	_ =	strace $0x8000004B  }
0xb3: {  	_ =	swait.ge [sflag:s29], $0x1  }
0xb4: {  	[sflag:s29] =	ssyncadd.s32 $0xFFFFFFFF  }
0xb5: {  	_ =	strace $0x9000004B  }
0xb6: {  	_ =	sfence  }
0xb7: {  	s30 =	sld [smem:$0x0];
	_ =	sdelay $0x2  }
0xb8: {  	s31 =	sshll.u32 s1, $0xD;
	s1 =	sshrl.u32 s1, $0x2  }
0xb9: {  	s3 =	sand.u32 $0x4000, s31;
	s1 =	sadd.s32 s1, s30  }
0xba: {  	s0 =	sor.u32 s3, s0;
	s1 =	sshll.u32 s1, $0x11  }
0xbb: {  	s0 =	sor.u32 s1, s0  }
0xbc: {  	s0 =	sadd.s32 $0x8F2B, s0  }
0xbd: {  	[sflag:s0] =	ssyncadd.remote.s32 $0x1  }
0xbe: {  	_ =	sfence.sel $0xFFFF  }
0xbf: {  	[dreg:$0x0] =	wrdreg $0xFFFFFFFF;
	(pc) =	sbr.abs _section_cstart, $3  }
0xc0: {  	[dreg:$0x1] =	wrdreg $0xFFFFFFFF  }
0xc1: {  	_ =	task.clear_ibuf [dreg:s7], $0x2FFFF;
	_ =	strace $0x9FFFFFFF  }
0xc2: {  	(tm) =	ssettm $0x7FFFFFFF  }
0xc3: {  	_ =	shalt  }
tec
execute0_lowered:
.L_overlay_start_1:
0x0: {  	(tag) =	ssettag $0x1  }
0x1: {  	s0 =	rddreg [dreg:$0x0]  }
0x2: {  	s5 =	rddreg [dreg:$0x1]  }
0x3: {  	s1 =	simm.s32 $0x0;
	s4 =	srdreg.scid;
	s2 =	stileid.u32  }
0x4: {  	s23 =	simm.s32 $0x80;
	s24 =	simm.s32 $0x900;
	s25 =	simm.s32 $0x1100  }
0x5: {  	s26 =	simm.s32 $0x1900;
	s11 =	simm.s32 $0x3100;
	s12 =	simm.s32 $0x3900  }
0x6: {  	s13 =	simm.s32 $0x4100;
	s14 =	simm.s32 $0x4900;
	s15 =	simm.s32 $0x5100  }
0x7: {  	s16 =	simm.s32 $0x5900;
	s17 =	simm.s32 $0x6100;
	s18 =	simm.s32 $0x6900  }
0x8: {  	s28 =	simm.s32 $0xB100;
	s29 =	simm.s32 $0xB900;
	s30 =	simm.s32 $0x1  }
0x9: {  	s31 =	simm.s32 $0x2;
	[smem:$0x7FF] =	sst s1;
	s3 =	sadd.s32 $0x1E00, s0  }
0xa: {  	s4 =	sand.u32 $0x1, s4;
	_ =	strace $0x8000004A;
	[dreg:$0x7] =	wrdreg s23  }
0xb: {  	s7 =	sshll.u32 s2, $0x4;
	s8 =	sadd.s32 $0x4A000, s0;
	[dreg:$0x8] =	wrdreg s24  }
0xc: {  	s6 =	ssub.s32 $0x2, s4;
	s4 =	sshll.u32 s4, $0x3;
	[dreg:$0x9] =	wrdreg s25  }
0xd: {  	[dreg:$0xa] =	wrdreg s26;
	s23 =	simm.s32 $0x9100;
	s24 =	simm.s32 $0x9900  }
0xe: {  	s25 =	simm.s32 $0xA100;
	s26 =	simm.s32 $0xA900;
	s4 =	sor.u32 s4, s7  }
0xf: {  	s9 =	sshrl.u32 s6, $0x1;
	s7 =	sadd.s32 s8, s4;
	s10 =	sor.u32 $0x4, s4  }
0x10: {  	s4 =	smul.u32 $0x300, s4;
	s6 =	ssub.s32 s6, s9;
	[dreg:$0x3] =	wrdreg s7  }
0x11: {  	s19 =	sadd.s32 s8, s10;
	s20 =	smul.u32 $0x300, s10;
	s6 =	smax.u32 s6, $0x1  }
0x12: {  	s7 =	simm.s32 $0x4;
	s8 =	simm.s32 $0x100;
	s10 =	simm.s32 $0x2900  }
0x13: {  	[dreg:$0x4] =	wrdreg s19;
	s21 =	sadd.s32 s5, s4;
	s4 =	sadd.s32 $0x1F00, s0  }
0x14: {  	v2 =	vlaneseq.u32;
	s19 =	simm.s32 $0x7100;
	[dreg:$0x5] =	wrdreg s21;
	s22 =	sadd.s32 s5, s20  }
0x15: {  	vm0 =	vmmov $0xffff;
	v1 =	vshrl.u32 v2, $0x3;
	s5 =	sadd.s32 $0x2000, s0;
	s20 =	simm.s32 $0x7900;
	s21 =	simm.s32 $0x8100  }
0x16: {  	v0 =	vand.u32 $0x7, v2;
	v2 =	vor.u32 $0x8, v2;
	v1 =	vmul.u32 $0x8, v1;
	s0 =	simm.s32 $0x3;
	[dreg:$0x6] =	wrdreg s22;
	s22 =	simm.s32 $0x8900  }
.LBB2_1:
0x17: {  	s2 =	rddreg [dreg:$0x3]  }
0x18: {  	[tilespmem:s1], [sflag:$0x4] =	stream.linear.gather [hbm4b:s2+s1], $0x20, $0x38;
	[tilespmem:$0xC100] =	vst v63  }
0x19: {  	_ =	swait.ge [sflag:s7], $0x20  }
0x1a: {  	s2 =	rddreg [dreg:$0x4];
	[sflag:s7] =	ssyncset.done $0x0  }
0x1b: {  	s9 =	rddreg [dreg:$0x7];
	[sflag:s7] =	ssyncadd.s32 $0xFFFFFFE0  }
0x1c: {  	[tilespmem:s9], [sflag:$0x4] =	stream.linear.gather [hbm4b:s2+s1], $0x20, $0x38;
	[tilespmem:$0xC100] =	vst v63  }
0x1d: {  	_ =	swait.ge [sflag:s7], $0x20  }
0x1e: {  	[sflag:s7] =	ssyncset.done $0x0  }
0x1f: {  	[sflag:s7] =	ssyncadd.s32 $0xFFFFFFE0  }
0x20: {  	v3 =	vld [tilespmem:$0x0];
	_ =	sdelay $0x4  }
0x21: {  	v4 =	vshrl.u32 v3, $0x3  }
0x22: {  	v4 =	vmul.u32 $0x30, v4  }
0x23: {  	v3 =	vand.u32 $0x7, v3  }
0x24: {  	v3 =	vor.u32 v3, v4  }
0x25: {  	v4 =	vperm.xlane v3, v0;
	_ =	sdelay $0x1  }
0x26: {  	v4 =	vadd.s32 v1, v4;
	_ =	sdelay $0x3  }
0x27: {  	v3 =	vperm.xlane v3, v2  }
0x28: {  	[tilespmem:s8], [sflag:$0x1] =	stream.indirect_vreg.gather [hbm4b:s3+s1], $0x80, v4, vm0, $0xb8;
	[tilespmem:$0xC100] =	vst v63  }
0x29: {  	s2 =	rddreg [dreg:$0x8];
	v3 =	vadd.s32 v1, v3  }
0x2a: {  	[tilespmem:s2], [sflag:$0x1] =	stream.indirect_vreg.gather [hbm4b:s4+s1], $0x80, v4, vm0, $0xb8;
	[tilespmem:$0xC100] =	vst v63  }
0x2b: {  	s9 =	rddreg [dreg:$0x9]  }
0x2c: {  	[tilespmem:s9], [sflag:$0x1] =	stream.indirect_vreg.gather [hbm4b:s5+s1], $0x80, v4, vm0, $0xb8;
	[tilespmem:$0xC100] =	vst v63  }
0x2d: {  	s2 =	rddreg [dreg:$0xa]  }
0x2e: {  	[tilespmem:s2], [sflag:$0x1] =	stream.indirect_vreg.gather [hbm4b:s3+s1], $0x80, v3, vm0, $0xb8;
	[tilespmem:$0xC100] =	vst v63  }
0x2f: {  	s9 =	simm.s32 $0x2100  }
0x30: {  	[tilespmem:s9], [sflag:$0x1] =	stream.indirect_vreg.gather [hbm4b:s4+s1], $0x80, v3, vm0, $0xb8;
	[tilespmem:$0xC100] =	vst v63  }
0x31: {  	_ = 	snop  }
0x32: {  	[tilespmem:s10], [sflag:$0x1] =	stream.indirect_vreg.gather [hbm4b:s5+s1], $0x80, v3, vm0, $0xb8;
	[tilespmem:$0xC100] =	vst v63  }
0x33: {  	v3 =	vld [tilespmem:$0x10];
	_ =	sdelay $0x4  }
0x34: {  	v61 =	vshrl.u32 v3, $0x3  }
0x35: {  	v4 =	vmul.u32 $0x30, v61  }
0x36: {  	v3 =	vand.u32 $0x7, v3  }
0x37: {  	v3 =	vor.u32 v3, v4  }
0x38: {  	v4 =	vperm.xlane v3, v0;
	_ =	sdelay $0x1  }
0x39: {  	v4 =	vadd.s32 v1, v4;
	_ =	sdelay $0x3  }
0x3a: {  	v3 =	vperm.xlane v3, v2  }
0x3b: {  	[tilespmem:s11], [sflag:$0x1] =	stream.indirect_vreg.gather [hbm4b:s3+s1], $0x80, v4, vm0, $0xb8;
	[tilespmem:$0xC100] =	vst v63  }
0x3c: {  	v3 =	vadd.s32 v1, v3  }
0x3d: {  	[tilespmem:s12], [sflag:$0x1] =	stream.indirect_vreg.gather [hbm4b:s4+s1], $0x80, v4, vm0, $0xb8;
	[tilespmem:$0xC100] =	vst v63  }
0x3e: {  	_ = 	snop  }
0x3f: {  	[tilespmem:s13], [sflag:$0x1] =	stream.indirect_vreg.gather [hbm4b:s5+s1], $0x80, v4, vm0, $0xb8;
	[tilespmem:$0xC100] =	vst v63  }
0x40: {  	_ = 	snop  }
0x41: {  	[tilespmem:s14], [sflag:$0x1] =	stream.indirect_vreg.gather [hbm4b:s3+s1], $0x80, v3, vm0, $0xb8;
	[tilespmem:$0xC100] =	vst v63  }
0x42: {  	_ = 	snop  }
0x43: {  	[tilespmem:s15], [sflag:$0x1] =	stream.indirect_vreg.gather [hbm4b:s4+s1], $0x80, v3, vm0, $0xb8;
	[tilespmem:$0xC100] =	vst v63  }
0x44: {  	_ = 	snop  }
0x45: {  	[tilespmem:s16], [sflag:$0x1] =	stream.indirect_vreg.gather [hbm4b:s5+s1], $0x80, v3, vm0, $0xb8;
	[tilespmem:$0xC100] =	vst v63  }
0x46: {  	v3 =	vld [tilespmem:$0x80];
	_ =	sdelay $0x4  }
0x47: {  	v62 =	vshrl.u32 v3, $0x3  }
0x48: {  	v4 =	vmul.u32 $0x30, v62  }
0x49: {  	v3 =	vand.u32 $0x7, v3  }
0x4a: {  	v3 =	vor.u32 v3, v4  }
0x4b: {  	v4 =	vperm.xlane v3, v0;
	_ =	sdelay $0x1  }
0x4c: {  	v4 =	vadd.s32 v1, v4;
	_ =	sdelay $0x3  }
0x4d: {  	v3 =	vperm.xlane v3, v2  }
0x4e: {  	[tilespmem:s17], [sflag:$0x2] =	stream.indirect_vreg.gather [hbm4b:s3+s1], $0x80, v4, vm0, $0xb8;
	[tilespmem:$0xC100] =	vst v63  }
0x4f: {  	v3 =	vadd.s32 v1, v3  }
0x50: {  	[tilespmem:s18], [sflag:$0x2] =	stream.indirect_vreg.gather [hbm4b:s4+s1], $0x80, v4, vm0, $0xb8;
	[tilespmem:$0xC100] =	vst v63  }
0x51: {  	_ = 	snop  }
0x52: {  	[tilespmem:s19], [sflag:$0x2] =	stream.indirect_vreg.gather [hbm4b:s5+s1], $0x80, v4, vm0, $0xb8;
	[tilespmem:$0xC100] =	vst v63  }
0x53: {  	_ = 	snop  }
0x54: {  	[tilespmem:s20], [sflag:$0x2] =	stream.indirect_vreg.gather [hbm4b:s3+s1], $0x80, v3, vm0, $0xb8;
	[tilespmem:$0xC100] =	vst v63  }
0x55: {  	_ = 	snop  }
0x56: {  	[tilespmem:s21], [sflag:$0x2] =	stream.indirect_vreg.gather [hbm4b:s4+s1], $0x80, v3, vm0, $0xb8;
	[tilespmem:$0xC100] =	vst v63  }
0x57: {  	_ = 	snop  }
0x58: {  	[tilespmem:s22], [sflag:$0x2] =	stream.indirect_vreg.gather [hbm4b:s5+s1], $0x80, v3, vm0, $0xb8;
	[tilespmem:$0xC100] =	vst v63  }
0x59: {  	v3 =	vld [tilespmem:$0x90];
	_ =	sdelay $0x4  }
0x5a: {  	v63 =	vshrl.u32 v3, $0x3  }
0x5b: {  	v4 =	vmul.u32 $0x30, v63  }
0x5c: {  	v3 =	vand.u32 $0x7, v3  }
0x5d: {  	v3 =	vor.u32 v3, v4  }
0x5e: {  	v4 =	vperm.xlane v3, v0;
	_ =	sdelay $0x1  }
0x5f: {  	v4 =	vadd.s32 v1, v4;
	_ =	sdelay $0x3  }
0x60: {  	v3 =	vperm.xlane v3, v2  }
0x61: {  	[tilespmem:s23], [sflag:$0x2] =	stream.indirect_vreg.gather [hbm4b:s3+s1], $0x80, v4, vm0, $0xb8;
	[tilespmem:$0xC100] =	vst v63  }
0x62: {  	v3 =	vadd.s32 v1, v3  }
0x63: {  	[tilespmem:s24], [sflag:$0x2] =	stream.indirect_vreg.gather [hbm4b:s4+s1], $0x80, v4, vm0, $0xb8;
	[tilespmem:$0xC100] =	vst v63  }
0x64: {  	_ = 	snop  }
0x65: {  	[tilespmem:s25], [sflag:$0x2] =	stream.indirect_vreg.gather [hbm4b:s5+s1], $0x80, v4, vm0, $0xb8;
	[tilespmem:$0xC100] =	vst v63  }
0x66: {  	_ = 	snop  }
0x67: {  	[tilespmem:s26], [sflag:$0x2] =	stream.indirect_vreg.gather [hbm4b:s3+s1], $0x80, v3, vm0, $0xb8;
	[tilespmem:$0xC100] =	vst v63  }
0x68: {  	_ = 	snop  }
0x69: {  	[tilespmem:s28], [sflag:$0x2] =	stream.indirect_vreg.gather [hbm4b:s4+s1], $0x80, v3, vm0, $0xb8;
	[tilespmem:$0xC100] =	vst v63  }
0x6a: {  	_ = 	snop  }
0x6b: {  	[tilespmem:s29], [sflag:$0x2] =	stream.indirect_vreg.gather [hbm4b:s5+s1], $0x80, v3, vm0, $0xb8;
	[tilespmem:$0xC100] =	vst v63  }
0x6c: {  	_ =	swait.ge [sflag:s30], $0x6000  }
0x6d: {  	[sflag:s30] =	ssyncset.done $0x0  }
0x6e: {  	s9 =	rddreg [dreg:$0x5];
	[sflag:s30] =	ssyncadd.s32 $0xFFFFA000  }
0x6f: {  	[hbm4b:s9+s1] =	stream.linear.scatter [tilespmem:s8], [sflag:$0x3], $0x6000, $0x38;
	[tilespmem:$0xC100] =	vst v63  }
0x70: {  	_ =	swait.ge [sflag:s31], $0x6000  }
0x71: {  	[sflag:s31] =	ssyncset.done $0x0  }
0x72: {  	[sflag:s31] =	ssyncadd.s32 $0xFFFFA000  }
0x73: {  	_ =	swait.ge [sflag:s0], $0x6000  }
0x74: {  	p0 =	sne.s32 s6, $0x1;
	[sflag:s0] =	ssyncset.done $0x0  }
.Ltmp0:
0x75: {  	s9 =	rddreg [dreg:$0x6];
	[sflag:s0] =	ssyncadd.s32 $0xFFFFA000;
	(pc) =	sbr.rel @p0 .LBB2_1-.Ltmp0, $4  }
0x76: {  	[hbm4b:s9+s1] =	stream.linear.scatter [tilespmem:s17], [sflag:$0x4], $0x6000, $0x38;
	[tilespmem:$0xC100] =	vst v63  }
0x77: {  	_ =	swait.ge [sflag:s7], $0x6000  }
0x78: {  	[sflag:s7] =	ssyncset.done $0x0  }
0x79: {  	s6 =	sadd.s32 $0xFFFFFFFF, s6;
	[sflag:s7] =	ssyncadd.s32 $0xFFFFA000  }
0x7a: {  	_ =	sfence.sel $0x180000  }
0x7b: {  	[bflag:$0x0] =	sbarrier.arrive $0xFFFF  }
0x7c: {  	_ =	strace $0x9000004A  }
0x7d: {  	s0 =	stileid.u32;
	[bflag:$0x2] =	sbarrier.arrive $0xFFFF  }
0x7e: {  	p0 =	sne.s32 s0, $0x0;
	s0 =	rddreg [dreg:$0x2]  }
0x7f: {  	s0 =	sadd.s32 @!p0 $0x100000, s0  }
0x80: {  	[sflag:s0] =	ssyncadd.tile.s32 @!p0 $0x1;
	_ =	shalt  }
.Lfunc_end2:
_tile_overlayer_lowered:
.L_overlay_start_2:
0x81: {  	(tag) =	ssettag $0x2  }
0x82: {  	s0 =	rddreg [dreg:$0x0];
	s2 =	stileid.u32  }
0x83: {  	s1 =	rddreg [dreg:$0x1];
	p0 =	sne.s32 s2, $0x0  }
0x84: {  	s3 =	rddreg [dreg:$0x2];
	[bflag:$0x3] =	sbarrier.arrive $0xFFFF;
	s2 =	simm.s32 @!p0 $0x1C04  }
0x85: {  	[timem:s3], [sflag:s2] =	dma.local @!p0 [hbm:s0], s1  }
0x86: {  	s0 =	simm.s32 @!p0 $0x4  }
0x87: {  	_ =	swait.ge @!p0 [sflag:s0], s1  }
0x88: {  	s1 =	ssub.s32 @!p0 $0x0, s1;
	[sflag:s0] =	ssyncset.done @!p0 $0x0  }
0x89: {  	[sflag:s0] =	ssyncadd.s32 @!p0 s1  }
0x8a: {  	[bflag:$0x3] =	sbarrier.arrive $0xFFFF  }
0x8b: {  	_ =	shalt  }

</sc_bundles>
